<compile_context>
chip_gen: v7x
topology: tpu7x:2x2x1
jax: 0.10.2.dev20260603
libtpu: 0.0.44.dev20260713+nightly
codegen_flags: <defaults>
</compile_context>

<pallas_src>
import functools

import jax
import jax.numpy as jnp
from jax import lax
from jax.experimental import pallas as pl
from jax.experimental.pallas import tpu as pltpu, tpu_sc as plsc

BATCH = 16384
EMBED_K = 32
NROWS = 1000000
BN = 32768
GRID1 = (NROWS + BN - 1) // BN
PADN = GRID1 * BN
TROW = 128

_info = plsc.get_sparse_core_info()
_NC, _NS, _L = _info.num_cores, _info.num_subcores, _info.num_lanes
_NW = _NC * _NS
_BPW = BATCH // _NW
_CHUNK = 128
_NCHUNK = _BPW // _CHUNK
_GPC = _CHUNK // _L


def _tc_body(wu_ref, wi_ref, ut_ref, it_ref, u1_ref, u0_ref, i1_ref, i0_ref):
    ru = lax.dot_general(wu_ref[...], ut_ref[...], (((1,), (0,)), ((), ())),
                         preferred_element_type=jnp.float32)
    ri = lax.dot_general(wi_ref[...], it_ref[...], (((1,), (0,)), ((), ())),
                         preferred_element_type=jnp.float32)
    u1_ref[...] = ru[0]
    u0_ref[...] = ru[1]
    i1_ref[...] = ri[0]
    i0_ref[...] = ri[1]


def _tc_call(wu, wi, ut_t, it_t):
    out1d = jax.ShapeDtypeStruct((PADN,), jnp.float32)
    return pl.pallas_call(
        _tc_body,
        grid=(GRID1,),
        in_specs=[
            pl.BlockSpec((2, EMBED_K), lambda i: (0, 0)),
            pl.BlockSpec((2, EMBED_K), lambda i: (0, 0)),
            pl.BlockSpec((EMBED_K, BN), lambda i: (0, i)),
            pl.BlockSpec((EMBED_K, BN), lambda i: (0, i)),
        ],
        out_specs=[
            pl.BlockSpec((BN,), lambda i: (i,)),
            pl.BlockSpec((BN,), lambda i: (i,)),
            pl.BlockSpec((BN,), lambda i: (i,)),
            pl.BlockSpec((BN,), lambda i: (i,)),
        ],
        out_shape=[out1d, out1d, out1d, out1d],
    )(wu, wi, ut_t, it_t)


def _sc_body(uidx_hbm, iidx_hbm, u1_hbm, u0_hbm, i1_hbm, i0_hbm,
             y1_hbm, y0_hbm,
             idx_u, idx_i, gidx, bu1, bu0, bi1, bi0, y1_v, y0_v, sem):
    wid = lax.axis_index("s") * _NC + lax.axis_index("c")
    base = wid * _BPW

    pltpu.sync_copy(uidx_hbm.at[pl.ds(wid * _NCHUNK, _NCHUNK)], idx_u)
    pltpu.sync_copy(iidx_hbm.at[pl.ds(wid * _NCHUNK, _NCHUNK)], idx_i)

    iota = lax.broadcasted_iota(jnp.int32, (_L,), 0)

    for j in range(_NCHUNK):
        for t in range(_CHUNK // _L):
            sl = pl.ds(t * _L, _L)
            gidx[0, sl] = lax.shift_right_logical(idx_u[j, sl], 7)
            gidx[1, sl] = lax.shift_right_logical(idx_i[j, sl], 7)
        copies = (
            pltpu.async_copy(u1_hbm.at[gidx.at[0]], bu1, sem),
            pltpu.async_copy(u0_hbm.at[gidx.at[0]], bu0, sem),
            pltpu.async_copy(i1_hbm.at[gidx.at[1]], bi1, sem),
            pltpu.async_copy(i0_hbm.at[gidx.at[1]], bi0, sem),
        )
        for c in copies:
            c.wait()

        def group(g, carry, j=j):
            rows = g * _L + iota
            qu = idx_u[j, pl.ds(g * _L, _L)] & (TROW - 1)
            qi = idx_i[j, pl.ds(g * _L, _L)] & (TROW - 1)
            y1 = (plsc.load_gather(bu1, [rows, qu])
                  + plsc.load_gather(bi1, [rows, qi]))
            y0 = (plsc.load_gather(bu0, [rows, qu])
                  + plsc.load_gather(bi0, [rows, qi]))
            off = (j * _GPC + g) * _L
            y1_v[pl.ds(off, _L)] = y1
            y0_v[pl.ds(off, _L)] = y0
            return carry

        lax.fori_loop(0, _GPC, group, 0, unroll=False)

    pltpu.sync_copy(y1_v, y1_hbm.at[pl.ds(base, _BPW)])
    pltpu.sync_copy(y0_v, y0_hbm.at[pl.ds(base, _BPW)])


def _sc_call(uidx, iidx, u1, u0, i1, i0):
    mesh = plsc.VectorSubcoreMesh(core_axis_name="c", subcore_axis_name="s")
    f = functools.partial(
        pl.kernel,
        mesh=mesh,
        compiler_params=pltpu.CompilerParams(needs_layout_passes=False),
        out_type=(
            jax.ShapeDtypeStruct((BATCH,), jnp.float32),
            jax.ShapeDtypeStruct((BATCH,), jnp.float32),
        ),
        scratch_types=[
            pltpu.VMEM((_NCHUNK, _CHUNK), jnp.int32),
            pltpu.VMEM((_NCHUNK, _CHUNK), jnp.int32),
            pltpu.VMEM((2, _CHUNK), jnp.int32),
            pltpu.VMEM((_CHUNK, TROW), jnp.float32),
            pltpu.VMEM((_CHUNK, TROW), jnp.float32),
            pltpu.VMEM((_CHUNK, TROW), jnp.float32),
            pltpu.VMEM((_CHUNK, TROW), jnp.float32),
            pltpu.VMEM((_BPW,), jnp.float32),
            pltpu.VMEM((_BPW,), jnp.float32),
            pltpu.SemaphoreType.DMA,
        ],
    )(_sc_body)
    return f(uidx, iidx, u1, u0, i1, i0)


@jax.jit
def _run(x, user_table, item_table, W1, W0):
    uidx = x[:, 0].reshape(_NW * _NCHUNK, _CHUNK)
    iidx = x[:, 1].reshape(_NW * _NCHUNK, _CHUNK)
    wu = jnp.concatenate([W1[:, :EMBED_K], W0[:, :EMBED_K]], axis=0)
    wi = jnp.concatenate([W1[:, EMBED_K:], W0[:, EMBED_K:]], axis=0)
    u1, u0, i1, i0 = _tc_call(wu, wi, user_table.T, item_table.T)
    rb = PADN // TROW
    y1, y0 = _sc_call(uidx, iidx, u1.reshape(rb, TROW), u0.reshape(rb, TROW),
                      i1.reshape(rb, TROW), i0.reshape(rb, TROW))
    return (y1.reshape(BATCH, 1), y0.reshape(BATCH, 1))


def kernel(x, user_table, item_table, W1, W0):
    return _run(x.astype(jnp.int32), user_table, item_table, W1, W0)

# --- scband reference (transcript-rebuilt; emitter-appended) ---
"""Pipeline reference for scband-linear-cfplus-63754494542525 (READ-ONLY COPY).

The authoritative reference and input builder live on the scoring server;
editing this copy changes nothing except your own understanding.
"""

import jax, jax.numpy as jnp
import numpy as np

NUM_USERS = 1000000
NUM_ITEMS = 1000000
EMBED_K = 32
BATCH = 16384


def setup_inputs(seed: int = 0) -> dict:
    key = jax.random.key(seed)
    k1, k2, k3, k4, k5 = jax.random.split(key, 5)
    x = jax.random.randint(k1, (BATCH, 2), 0, NUM_USERS, dtype=jnp.int64) if jax.config.jax_enable_x64 else jax.random.randint(k1, (BATCH, 2), 0, NUM_USERS).astype(jnp.int32)
    user_table = jax.random.normal(k2, (NUM_USERS, EMBED_K), dtype=jnp.float32)
    item_table = jax.random.normal(k3, (NUM_ITEMS, EMBED_K), dtype=jnp.float32)
    # nn.Linear(embedding_k*2, 1, bias=False) weights: shape (out_features, in_features)
    bound = 1.0 / np.sqrt(EMBED_K * 2)
    W1 = jax.random.uniform(k4, (1, EMBED_K * 2), dtype=jnp.float32, minval=-bound, maxval=bound)
    W0 = jax.random.uniform(k5, (1, EMBED_K * 2), dtype=jnp.float32, minval=-bound, maxval=bound)
    return {"x": x, "user_table": user_table, "item_table": item_table, "W1": W1, "W0": W0}


def reference(x, user_table, item_table, W1, W0):
    user_idx = x[:, 0]
    item_idx = x[:, 1]
    user_embed = jnp.take(user_table, user_idx, axis=0)
    item_embed = jnp.take(item_table, item_idx, axis=0)
    z_embed = jnp.concatenate([user_embed, item_embed], axis=1)
    y1_out = z_embed @ W1.T
    y0_out = z_embed @ W0.T
    return (y1_out, y0_out)

if __name__ == "__main__":
    import jax
    _d = setup_inputs()
    print(jax.jit(kernel)(*tuple(_d.values())))

</pallas_src>

<mosaic_0001>
#map = affine_map<(d0, d1) -> (0, 0)>
#map1 = affine_map<(d0, d1) -> (0)>
module attributes {stable_mosaic.version = 14 : i64} {
  func.func @_sc_body(%arg0: i32, %arg1: i32, %arg2: memref<128x128xi32, #tpu.memory_space<hbm>>, %arg3: memref<128x128xi32, #tpu.memory_space<hbm>>, %arg4: memref<7936x128xf32, #tpu.memory_space<hbm>>, %arg5: memref<7936x128xf32, #tpu.memory_space<hbm>>, %arg6: memref<7936x128xf32, #tpu.memory_space<hbm>>, %arg7: memref<7936x128xf32, #tpu.memory_space<hbm>>, %arg8: memref<16384xf32, #tpu.memory_space<hbm>>, %arg9: memref<16384xf32, #tpu.memory_space<hbm>>, %arg10: memref<4x128xi32, #tpu.memory_space<vmem>>, %arg11: memref<4x128xi32, #tpu.memory_space<vmem>>, %arg12: memref<2x128xi32, #tpu.memory_space<vmem>>, %arg13: memref<128x128xf32, #tpu.memory_space<vmem>>, %arg14: memref<128x128xf32, #tpu.memory_space<vmem>>, %arg15: memref<128x128xf32, #tpu.memory_space<vmem>>, %arg16: memref<128x128xf32, #tpu.memory_space<vmem>>, %arg17: memref<512xf32, #tpu.memory_space<vmem>>, %arg18: memref<512xf32, #tpu.memory_space<vmem>>, %arg19: memref<!tpu.dma_semaphore, #tpu.memory_space<semaphore_mem>>) attributes {dimension_semantics = [#tpu.dimension_semantics<core_parallel>, #tpu.dimension_semantics<subcore_parallel>], iteration_bounds = array<i64: 2, 16>, scalar_prefetch = 0 : i64, scratch_operands = 10 : i64, tpu.core_type = #tpu.core_type<sc_vector_subcore>, window_params = [{transform_indices = #map}, {transform_indices = #map}, {transform_indices = #map}, {transform_indices = #map}, {transform_indices = #map}, {transform_indices = #map}, {transform_indices = #map1}, {transform_indices = #map1}]} {
    %mul3A = arith.constant 2 : i32
    %mul3A_0 = arith.muli %arg1, %mul3A : i32
    %add3A = arith.addi %mul3A_0, %arg0 : i32
    %mul3A_1 = arith.constant 512 : i32
    %mul3A_2 = arith.muli %add3A, %mul3A_1 : i32
    %mul3A_3 = arith.constant 4 : i32
    %mul3A_4 = arith.muli %add3A, %mul3A_3 : i32
    "tpu.region"() ({
      %run_scoped3A = tpu.sem_alloc : memref<!tpu.dma_semaphore, #tpu.memory_space<semaphore_mem>>
      %dma_start3A_953 = arith.constant 0 : i32
      %dma_start3A_954 = tpu.memref_slice %arg2[%mul3A_4, %dma_start3A_953] : memref<128x128xi32, #tpu.memory_space<hbm>> -> memref<4x128xi32, #tpu.memory_space<hbm>>
      %dma_start3A_955 = arith.constant 0 : i32
      %dma_start3A_956 = tpu.memref_slice %arg2[%mul3A_4, %dma_start3A_955] : memref<128x128xi32, #tpu.memory_space<hbm>> -> memref<4x128xi32, #tpu.memory_space<hbm>>
      tpu.enqueue_dma source(%dma_start3A_956 : memref<4x128xi32, #tpu.memory_space<hbm>>) target(%arg10 : memref<4x128xi32, #tpu.memory_space<vmem>>) target_semaphore(%run_scoped3A : memref<!tpu.dma_semaphore, #tpu.memory_space<semaphore_mem>>)
      %dma_wait3A_957 = arith.constant 0 : i32
      %dma_wait3A_958 = tpu.memref_slice %arg2[%mul3A_4, %dma_wait3A_957] : memref<128x128xi32, #tpu.memory_space<hbm>> -> memref<4x128xi32, #tpu.memory_space<hbm>>
      %dma_wait3A_959 = arith.constant 0 : i32
      %dma_wait3A_960 = tpu.memref_slice %arg2[%mul3A_4, %dma_wait3A_959] : memref<128x128xi32, #tpu.memory_space<hbm>> -> memref<4x128xi32, #tpu.memory_space<hbm>>
      tpu.wait_dma2 semaphore(%run_scoped3A : memref<!tpu.dma_semaphore, #tpu.memory_space<semaphore_mem>>) src(%dma_wait3A_960 : memref<4x128xi32, #tpu.memory_space<hbm>>) dst(%arg10 : memref<4x128xi32, #tpu.memory_space<vmem>>)
      tpu.yield
    }) : () -> ()
    %mul3A_5 = arith.constant 4 : i32
    %mul3A_6 = arith.muli %add3A, %mul3A_5 : i32
    "tpu.region"() ({
      %run_scoped3A = tpu.sem_alloc : memref<!tpu.dma_semaphore, #tpu.memory_space<semaphore_mem>>
      %dma_start3A_953 = arith.constant 0 : i32
      %dma_start3A_954 = tpu.memref_slice %arg3[%mul3A_6, %dma_start3A_953] : memref<128x128xi32, #tpu.memory_space<hbm>> -> memref<4x128xi32, #tpu.memory_space<hbm>>
      %dma_start3A_955 = arith.constant 0 : i32
      %dma_start3A_956 = tpu.memref_slice %arg3[%mul3A_6, %dma_start3A_955] : memref<128x128xi32, #tpu.memory_space<hbm>> -> memref<4x128xi32, #tpu.memory_space<hbm>>
      tpu.enqueue_dma source(%dma_start3A_956 : memref<4x128xi32, #tpu.memory_space<hbm>>) target(%arg11 : memref<4x128xi32, #tpu.memory_space<vmem>>) target_semaphore(%run_scoped3A : memref<!tpu.dma_semaphore, #tpu.memory_space<semaphore_mem>>)
      %dma_wait3A_957 = arith.constant 0 : i32
      %dma_wait3A_958 = tpu.memref_slice %arg3[%mul3A_6, %dma_wait3A_957] : memref<128x128xi32, #tpu.memory_space<hbm>> -> memref<4x128xi32, #tpu.memory_space<hbm>>
      %dma_wait3A_959 = arith.constant 0 : i32
      %dma_wait3A_960 = tpu.memref_slice %arg3[%mul3A_6, %dma_wait3A_959] : memref<128x128xi32, #tpu.memory_space<hbm>> -> memref<4x128xi32, #tpu.memory_space<hbm>>
      tpu.wait_dma2 semaphore(%run_scoped3A : memref<!tpu.dma_semaphore, #tpu.memory_space<semaphore_mem>>) src(%dma_wait3A_960 : memref<4x128xi32, #tpu.memory_space<hbm>>) dst(%arg11 : memref<4x128xi32, #tpu.memory_space<vmem>>)
      tpu.yield
    }) : () -> ()
    %iota3A = tpu.iota {dimensions = array<i32: 0>} : vector<16xi32>
    %get3A = arith.constant 0 : i32
    %get3A_7 = arith.index_cast %get3A : i32 to index
    %get3A_8 = arith.constant 0 : index
    %get3A_9 = tpu.vector_load %arg10[%get3A_7, %get3A_8] {strides = array<i32>} : memref<4x128xi32, #tpu.memory_space<vmem>>, vector<16xi32>,
    %shift_right_logical3A = arith.constant 7 : i32
    %shift_right_logical3A_10 = vector.broadcast %shift_right_logical3A : i32 to vector<16xi32>
    %shift_right_logical3A_11 = arith.shrui %get3A_9, %shift_right_logical3A_10 : vector<16xi32>
    %swap3A = arith.constant 0 : i32
    %swap3A_12 = arith.index_cast %swap3A : i32 to index
    %swap3A_13 = arith.constant 0 : index
    %swap3A_14 = tpu.vector_load %arg12[%swap3A_12, %swap3A_13] {strides = array<i32>} : memref<2x128xi32, #tpu.memory_space<vmem>>, vector<16xi32>,
    tpu.vector_store %arg12[%swap3A_12, %swap3A_13], %shift_right_logical3A_11 {strides = array<i32>} : memref<2x128xi32, #tpu.memory_space<vmem>>, vector<16xi32>,
    %get3A_15 = arith.constant 0 : i32
    %get3A_16 = arith.index_cast %get3A_15 : i32 to index
    %get3A_17 = arith.constant 0 : index
    %get3A_18 = tpu.vector_load %arg11[%get3A_16, %get3A_17] {strides = array<i32>} : memref<4x128xi32, #tpu.memory_space<vmem>>, vector<16xi32>,
    %shift_right_logical3A_19 = arith.constant 7 : i32
    %shift_right_logical3A_20 = vector.broadcast %shift_right_logical3A_19 : i32 to vector<16xi32>
    %shift_right_logical3A_21 = arith.shrui %get3A_18, %shift_right_logical3A_20 : vector<16xi32>
    %swap3A_22 = arith.constant 1 : i32
    %swap3A_23 = arith.index_cast %swap3A_22 : i32 to index
    %swap3A_24 = arith.constant 0 : index
    %swap3A_25 = tpu.vector_load %arg12[%swap3A_23, %swap3A_24] {strides = array<i32>} : memref<2x128xi32, #tpu.memory_space<vmem>>, vector<16xi32>,
    tpu.vector_store %arg12[%swap3A_23, %swap3A_24], %shift_right_logical3A_21 {strides = array<i32>} : memref<2x128xi32, #tpu.memory_space<vmem>>, vector<16xi32>,
    %get3A_26 = arith.constant 0 : i32
    %get3A_27 = arith.index_cast %get3A_26 : i32 to index
    %get3A_28 = arith.constant 16 : index
    %get3A_29 = tpu.vector_load %arg10[%get3A_27, %get3A_28] {strides = array<i32>} : memref<4x128xi32, #tpu.memory_space<vmem>>, vector<16xi32>,
    %shift_right_logical3A_30 = arith.constant 7 : i32
    %shift_right_logical3A_31 = vector.broadcast %shift_right_logical3A_30 : i32 to vector<16xi32>
    %shift_right_logical3A_32 = arith.shrui %get3A_29, %shift_right_logical3A_31 : vector<16xi32>
    %swap3A_33 = arith.constant 0 : i32
    %swap3A_34 = arith.index_cast %swap3A_33 : i32 to index
    %swap3A_35 = arith.constant 16 : index
    %swap3A_36 = tpu.vector_load %arg12[%swap3A_34, %swap3A_35] {strides = array<i32>} : memref<2x128xi32, #tpu.memory_space<vmem>>, vector<16xi32>,
    tpu.vector_store %arg12[%swap3A_34, %swap3A_35], %shift_right_logical3A_32 {strides = array<i32>} : memref<2x128xi32, #tpu.memory_space<vmem>>, vector<16xi32>,
    %get3A_37 = arith.constant 0 : i32
    %get3A_38 = arith.index_cast %get3A_37 : i32 to index
    %get3A_39 = arith.constant 16 : index
    %get3A_40 = tpu.vector_load %arg11[%get3A_38, %get3A_39] {strides = array<i32>} : memref<4x128xi32, #tpu.memory_space<vmem>>, vector<16xi32>,
    %shift_right_logical3A_41 = arith.constant 7 : i32
    %shift_right_logical3A_42 = vector.broadcast %shift_right_logical3A_41 : i32 to vector<16xi32>
    %shift_right_logical3A_43 = arith.shrui %get3A_40, %shift_right_logical3A_42 : vector<16xi32>
    %swap3A_44 = arith.constant 1 : i32
    %swap3A_45 = arith.index_cast %swap3A_44 : i32 to index
    %swap3A_46 = arith.constant 16 : index
    %swap3A_47 = tpu.vector_load %arg12[%swap3A_45, %swap3A_46] {strides = array<i32>} : memref<2x128xi32, #tpu.memory_space<vmem>>, vector<16xi32>,
    tpu.vector_store %arg12[%swap3A_45, %swap3A_46], %shift_right_logical3A_43 {strides = array<i32>} : memref<2x128xi32, #tpu.memory_space<vmem>>, vector<16xi32>,
    %get3A_48 = arith.constant 0 : i32
    %get3A_49 = arith.index_cast %get3A_48 : i32 to index
    %get3A_50 = arith.constant 32 : index
    %get3A_51 = tpu.vector_load %arg10[%get3A_49, %get3A_50] {strides = array<i32>} : memref<4x128xi32, #tpu.memory_space<vmem>>, vector<16xi32>,
    %shift_right_logical3A_52 = arith.constant 7 : i32
    %shift_right_logical3A_53 = vector.broadcast %shift_right_logical3A_52 : i32 to vector<16xi32>
    %shift_right_logical3A_54 = arith.shrui %get3A_51, %shift_right_logical3A_53 : vector<16xi32>
    %swap3A_55 = arith.constant 0 : i32
    %swap3A_56 = arith.index_cast %swap3A_55 : i32 to index
    %swap3A_57 = arith.constant 32 : index
    %swap3A_58 = tpu.vector_load %arg12[%swap3A_56, %swap3A_57] {strides = array<i32>} : memref<2x128xi32, #tpu.memory_space<vmem>>, vector<16xi32>,
    tpu.vector_store %arg12[%swap3A_56, %swap3A_57], %shift_right_logical3A_54 {strides = array<i32>} : memref<2x128xi32, #tpu.memory_space<vmem>>, vector<16xi32>,
    %get3A_59 = arith.constant 0 : i32
    %get3A_60 = arith.index_cast %get3A_59 : i32 to index
    %get3A_61 = arith.constant 32 : index
    %get3A_62 = tpu.vector_load %arg11[%get3A_60, %get3A_61] {strides = array<i32>} : memref<4x128xi32, #tpu.memory_space<vmem>>, vector<16xi32>,
    %shift_right_logical3A_63 = arith.constant 7 : i32
    %shift_right_logical3A_64 = vector.broadcast %shift_right_logical3A_63 : i32 to vector<16xi32>
    %shift_right_logical3A_65 = arith.shrui %get3A_62, %shift_right_logical3A_64 : vector<16xi32>
    %swap3A_66 = arith.constant 1 : i32
    %swap3A_67 = arith.index_cast %swap3A_66 : i32 to index
    %swap3A_68 = arith.constant 32 : index
    %swap3A_69 = tpu.vector_load %arg12[%swap3A_67, %swap3A_68] {strides = array<i32>} : memref<2x128xi32, #tpu.memory_space<vmem>>, vector<16xi32>,
    tpu.vector_store %arg12[%swap3A_67, %swap3A_68], %shift_right_logical3A_65 {strides = array<i32>} : memref<2x128xi32, #tpu.memory_space<vmem>>, vector<16xi32>,
    %get3A_70 = arith.constant 0 : i32
    %get3A_71 = arith.index_cast %get3A_70 : i32 to index
    %get3A_72 = arith.constant 48 : index
    %get3A_73 = tpu.vector_load %arg10[%get3A_71, %get3A_72] {strides = array<i32>} : memref<4x128xi32, #tpu.memory_space<vmem>>, vector<16xi32>,
    %shift_right_logical3A_74 = arith.constant 7 : i32
    %shift_right_logical3A_75 = vector.broadcast %shift_right_logical3A_74 : i32 to vector<16xi32>
    %shift_right_logical3A_76 = arith.shrui %get3A_73, %shift_right_logical3A_75 : vector<16xi32>
    %swap3A_77 = arith.constant 0 : i32
    %swap3A_78 = arith.index_cast %swap3A_77 : i32 to index
    %swap3A_79 = arith.constant 48 : index
    %swap3A_80 = tpu.vector_load %arg12[%swap3A_78, %swap3A_79] {strides = array<i32>} : memref<2x128xi32, #tpu.memory_space<vmem>>, vector<16xi32>,
    tpu.vector_store %arg12[%swap3A_78, %swap3A_79], %shift_right_logical3A_76 {strides = array<i32>} : memref<2x128xi32, #tpu.memory_space<vmem>>, vector<16xi32>,
    %get3A_81 = arith.constant 0 : i32
    %get3A_82 = arith.index_cast %get3A_81 : i32 to index
    %get3A_83 = arith.constant 48 : index
    %get3A_84 = tpu.vector_load %arg11[%get3A_82, %get3A_83] {strides = array<i32>} : memref<4x128xi32, #tpu.memory_space<vmem>>, vector<16xi32>,
    %shift_right_logical3A_85 = arith.constant 7 : i32
    %shift_right_logical3A_86 = vector.broadcast %shift_right_logical3A_85 : i32 to vector<16xi32>
    %shift_right_logical3A_87 = arith.shrui %get3A_84, %shift_right_logical3A_86 : vector<16xi32>
    %swap3A_88 = arith.constant 1 : i32
    %swap3A_89 = arith.index_cast %swap3A_88 : i32 to index
    %swap3A_90 = arith.constant 48 : index
    %swap3A_91 = tpu.vector_load %arg12[%swap3A_89, %swap3A_90] {strides = array<i32>} : memref<2x128xi32, #tpu.memory_space<vmem>>, vector<16xi32>,
    tpu.vector_store %arg12[%swap3A_89, %swap3A_90], %shift_right_logical3A_87 {strides = array<i32>} : memref<2x128xi32, #tpu.memory_space<vmem>>, vector<16xi32>,
    %get3A_92 = arith.constant 0 : i32
    %get3A_93 = arith.index_cast %get3A_92 : i32 to index
    %get3A_94 = arith.constant 64 : index
    %get3A_95 = tpu.vector_load %arg10[%get3A_93, %get3A_94] {strides = array<i32>} : memref<4x128xi32, #tpu.memory_space<vmem>>, vector<16xi32>,
    %shift_right_logical3A_96 = arith.constant 7 : i32
    %shift_right_logical3A_97 = vector.broadcast %shift_right_logical3A_96 : i32 to vector<16xi32>
    %shift_right_logical3A_98 = arith.shrui %get3A_95, %shift_right_logical3A_97 : vector<16xi32>
    %swap3A_99 = arith.constant 0 : i32
    %swap3A_100 = arith.index_cast %swap3A_99 : i32 to index
    %swap3A_101 = arith.constant 64 : index
    %swap3A_102 = tpu.vector_load %arg12[%swap3A_100, %swap3A_101] {strides = array<i32>} : memref<2x128xi32, #tpu.memory_space<vmem>>, vector<16xi32>,
    tpu.vector_store %arg12[%swap3A_100, %swap3A_101], %shift_right_logical3A_98 {strides = array<i32>} : memref<2x128xi32, #tpu.memory_space<vmem>>, vector<16xi32>,
    %get3A_103 = arith.constant 0 : i32
    %get3A_104 = arith.index_cast %get3A_103 : i32 to index
    %get3A_105 = arith.constant 64 : index
    %get3A_106 = tpu.vector_load %arg11[%get3A_104, %get3A_105] {strides = array<i32>} : memref<4x128xi32, #tpu.memory_space<vmem>>, vector<16xi32>,
    %shift_right_logical3A_107 = arith.constant 7 : i32
    %shift_right_logical3A_108 = vector.broadcast %shift_right_logical3A_107 : i32 to vector<16xi32>
    %shift_right_logical3A_109 = arith.shrui %get3A_106, %shift_right_logical3A_108 : vector<16xi32>
    %swap3A_110 = arith.constant 1 : i32
    %swap3A_111 = arith.index_cast %swap3A_110 : i32 to index
    %swap3A_112 = arith.constant 64 : index
    %swap3A_113 = tpu.vector_load %arg12[%swap3A_111, %swap3A_112] {strides = array<i32>} : memref<2x128xi32, #tpu.memory_space<vmem>>, vector<16xi32>,
    tpu.vector_store %arg12[%swap3A_111, %swap3A_112], %shift_right_logical3A_109 {strides = array<i32>} : memref<2x128xi32, #tpu.memory_space<vmem>>, vector<16xi32>,
    %get3A_114 = arith.constant 0 : i32
    %get3A_115 = arith.index_cast %get3A_114 : i32 to index
    %get3A_116 = arith.constant 80 : index
    %get3A_117 = tpu.vector_load %arg10[%get3A_115, %get3A_116] {strides = array<i32>} : memref<4x128xi32, #tpu.memory_space<vmem>>, vector<16xi32>,
    %shift_right_logical3A_118 = arith.constant 7 : i32
    %shift_right_logical3A_119 = vector.broadcast %shift_right_logical3A_118 : i32 to vector<16xi32>
    %shift_right_logical3A_120 = arith.shrui %get3A_117, %shift_right_logical3A_119 : vector<16xi32>
    %swap3A_121 = arith.constant 0 : i32
    %swap3A_122 = arith.index_cast %swap3A_121 : i32 to index
    %swap3A_123 = arith.constant 80 : index
    %swap3A_124 = tpu.vector_load %arg12[%swap3A_122, %swap3A_123] {strides = array<i32>} : memref<2x128xi32, #tpu.memory_space<vmem>>, vector<16xi32>,
    tpu.vector_store %arg12[%swap3A_122, %swap3A_123], %shift_right_logical3A_120 {strides = array<i32>} : memref<2x128xi32, #tpu.memory_space<vmem>>, vector<16xi32>,
    %get3A_125 = arith.constant 0 : i32
    %get3A_126 = arith.index_cast %get3A_125 : i32 to index
    %get3A_127 = arith.constant 80 : index
    %get3A_128 = tpu.vector_load %arg11[%get3A_126, %get3A_127] {strides = array<i32>} : memref<4x128xi32, #tpu.memory_space<vmem>>, vector<16xi32>,
    %shift_right_logical3A_129 = arith.constant 7 : i32
    %shift_right_logical3A_130 = vector.broadcast %shift_right_logical3A_129 : i32 to vector<16xi32>
    %shift_right_logical3A_131 = arith.shrui %get3A_128, %shift_right_logical3A_130 : vector<16xi32>
    %swap3A_132 = arith.constant 1 : i32
    %swap3A_133 = arith.index_cast %swap3A_132 : i32 to index
    %swap3A_134 = arith.constant 80 : index
    %swap3A_135 = tpu.vector_load %arg12[%swap3A_133, %swap3A_134] {strides = array<i32>} : memref<2x128xi32, #tpu.memory_space<vmem>>, vector<16xi32>,
    tpu.vector_store %arg12[%swap3A_133, %swap3A_134], %shift_right_logical3A_131 {strides = array<i32>} : memref<2x128xi32, #tpu.memory_space<vmem>>, vector<16xi32>,
    %get3A_136 = arith.constant 0 : i32
    %get3A_137 = arith.index_cast %get3A_136 : i32 to index
    %get3A_138 = arith.constant 96 : index
    %get3A_139 = tpu.vector_load %arg10[%get3A_137, %get3A_138] {strides = array<i32>} : memref<4x128xi32, #tpu.memory_space<vmem>>, vector<16xi32>,
    %shift_right_logical3A_140 = arith.constant 7 : i32
    %shift_right_logical3A_141 = vector.broadcast %shift_right_logical3A_140 : i32 to vector<16xi32>
    %shift_right_logical3A_142 = arith.shrui %get3A_139, %shift_right_logical3A_141 : vector<16xi32>
    %swap3A_143 = arith.constant 0 : i32
    %swap3A_144 = arith.index_cast %swap3A_143 : i32 to index
    %swap3A_145 = arith.constant 96 : index
    %swap3A_146 = tpu.vector_load %arg12[%swap3A_144, %swap3A_145] {strides = array<i32>} : memref<2x128xi32, #tpu.memory_space<vmem>>, vector<16xi32>,
    tpu.vector_store %arg12[%swap3A_144, %swap3A_145], %shift_right_logical3A_142 {strides = array<i32>} : memref<2x128xi32, #tpu.memory_space<vmem>>, vector<16xi32>,
    %get3A_147 = arith.constant 0 : i32
    %get3A_148 = arith.index_cast %get3A_147 : i32 to index
    %get3A_149 = arith.constant 96 : index
    %get3A_150 = tpu.vector_load %arg11[%get3A_148, %get3A_149] {strides = array<i32>} : memref<4x128xi32, #tpu.memory_space<vmem>>, vector<16xi32>,
    %shift_right_logical3A_151 = arith.constant 7 : i32
    %shift_right_logical3A_152 = vector.broadcast %shift_right_logical3A_151 : i32 to vector<16xi32>
    %shift_right_logical3A_153 = arith.shrui %get3A_150, %shift_right_logical3A_152 : vector<16xi32>
    %swap3A_154 = arith.constant 1 : i32
    %swap3A_155 = arith.index_cast %swap3A_154 : i32 to index
    %swap3A_156 = arith.constant 96 : index
    %swap3A_157 = tpu.vector_load %arg12[%swap3A_155, %swap3A_156] {strides = array<i32>} : memref<2x128xi32, #tpu.memory_space<vmem>>, vector<16xi32>,
    tpu.vector_store %arg12[%swap3A_155, %swap3A_156], %shift_right_logical3A_153 {strides = array<i32>} : memref<2x128xi32, #tpu.memory_space<vmem>>, vector<16xi32>,
    %get3A_158 = arith.constant 0 : i32
    %get3A_159 = arith.index_cast %get3A_158 : i32 to index
    %get3A_160 = arith.constant 112 : index
    %get3A_161 = tpu.vector_load %arg10[%get3A_159, %get3A_160] {strides = array<i32>} : memref<4x128xi32, #tpu.memory_space<vmem>>, vector<16xi32>,
    %shift_right_logical3A_162 = arith.constant 7 : i32
    %shift_right_logical3A_163 = vector.broadcast %shift_right_logical3A_162 : i32 to vector<16xi32>
    %shift_right_logical3A_164 = arith.shrui %get3A_161, %shift_right_logical3A_163 : vector<16xi32>
    %swap3A_165 = arith.constant 0 : i32
    %swap3A_166 = arith.index_cast %swap3A_165 : i32 to index
    %swap3A_167 = arith.constant 112 : index
    %swap3A_168 = tpu.vector_load %arg12[%swap3A_166, %swap3A_167] {strides = array<i32>} : memref<2x128xi32, #tpu.memory_space<vmem>>, vector<16xi32>,
    tpu.vector_store %arg12[%swap3A_166, %swap3A_167], %shift_right_logical3A_164 {strides = array<i32>} : memref<2x128xi32, #tpu.memory_space<vmem>>, vector<16xi32>,
    %get3A_169 = arith.constant 0 : i32
    %get3A_170 = arith.index_cast %get3A_169 : i32 to index
    %get3A_171 = arith.constant 112 : index
    %get3A_172 = tpu.vector_load %arg11[%get3A_170, %get3A_171] {strides = array<i32>} : memref<4x128xi32, #tpu.memory_space<vmem>>, vector<16xi32>,
    %shift_right_logical3A_173 = arith.constant 7 : i32
    %shift_right_logical3A_174 = vector.broadcast %shift_right_logical3A_173 : i32 to vector<16xi32>
    %shift_right_logical3A_175 = arith.shrui %get3A_172, %shift_right_logical3A_174 : vector<16xi32>
    %swap3A_176 = arith.constant 1 : i32
    %swap3A_177 = arith.index_cast %swap3A_176 : i32 to index
    %swap3A_178 = arith.constant 112 : index
    %swap3A_179 = tpu.vector_load %arg12[%swap3A_177, %swap3A_178] {strides = array<i32>} : memref<2x128xi32, #tpu.memory_space<vmem>>, vector<16xi32>,
    tpu.vector_store %arg12[%swap3A_177, %swap3A_178], %shift_right_logical3A_175 {strides = array<i32>} : memref<2x128xi32, #tpu.memory_space<vmem>>, vector<16xi32>,
    %dma_start3A = arith.constant 0 : i32
    %dma_start3A_180 = arith.constant 0 : i32
    %dma_start3A_181 = tpu.memref_slice %arg12[%dma_start3A, %dma_start3A_180] : memref<2x128xi32, #tpu.memory_space<vmem>> -> memref<1x128xi32, #tpu.memory_space<vmem>>
    %dma_start3A_182 = tpu.memref_squeeze %dma_start3A_181 : memref<1x128xi32, #tpu.memory_space<vmem>> -> memref<128xi32, #tpu.memory_space<vmem>>
    %dma_start3A_183 = arith.constant 0 : i32
    %dma_start3A_184 = arith.constant 0 : i32
    %dma_start3A_185 = tpu.memref_slice %arg4[%dma_start3A_183, %dma_start3A_184] : memref<7936x128xf32, #tpu.memory_space<hbm>> -> memref<7936x128xf32, #tpu.memory_space<hbm>>
    tpu.enqueue_indirect_dma source(%dma_start3A_185 : memref<7936x128xf32, #tpu.memory_space<hbm>>) target(%arg13 : memref<128x128xf32, #tpu.memory_space<vmem>>) offsets(%dma_start3A_182 : memref<128xi32, #tpu.memory_space<vmem>>) semaphore(%arg19 : memref<!tpu.dma_semaphore, #tpu.memory_space<semaphore_mem>>)
    %dma_start3A_186 = arith.constant 0 : i32
    %dma_start3A_187 = arith.constant 0 : i32
    %dma_start3A_188 = tpu.memref_slice %arg12[%dma_start3A_186, %dma_start3A_187] : memref<2x128xi32, #tpu.memory_space<vmem>> -> memref<1x128xi32, #tpu.memory_space<vmem>>
    %dma_start3A_189 = tpu.memref_squeeze %dma_start3A_188 : memref<1x128xi32, #tpu.memory_space<vmem>> -> memref<128xi32, #tpu.memory_space<vmem>>
    %dma_start3A_190 = arith.constant 0 : i32
    %dma_start3A_191 = arith.constant 0 : i32
    %dma_start3A_192 = tpu.memref_slice %arg5[%dma_start3A_190, %dma_start3A_191] : memref<7936x128xf32, #tpu.memory_space<hbm>> -> memref<7936x128xf32, #tpu.memory_space<hbm>>
    tpu.enqueue_indirect_dma source(%dma_start3A_192 : memref<7936x128xf32, #tpu.memory_space<hbm>>) target(%arg14 : memref<128x128xf32, #tpu.memory_space<vmem>>) offsets(%dma_start3A_189 : memref<128xi32, #tpu.memory_space<vmem>>) semaphore(%arg19 : memref<!tpu.dma_semaphore, #tpu.memory_space<semaphore_mem>>)
    %dma_start3A_193 = arith.constant 1 : i32
    %dma_start3A_194 = arith.constant 0 : i32
    %dma_start3A_195 = tpu.memref_slice %arg12[%dma_start3A_193, %dma_start3A_194] : memref<2x128xi32, #tpu.memory_space<vmem>> -> memref<1x128xi32, #tpu.memory_space<vmem>>
    %dma_start3A_196 = tpu.memref_squeeze %dma_start3A_195 : memref<1x128xi32, #tpu.memory_space<vmem>> -> memref<128xi32, #tpu.memory_space<vmem>>
    %dma_start3A_197 = arith.constant 0 : i32
    %dma_start3A_198 = arith.constant 0 : i32
    %dma_start3A_199 = tpu.memref_slice %arg6[%dma_start3A_197, %dma_start3A_198] : memref<7936x128xf32, #tpu.memory_space<hbm>> -> memref<7936x128xf32, #tpu.memory_space<hbm>>
    tpu.enqueue_indirect_dma source(%dma_start3A_199 : memref<7936x128xf32, #tpu.memory_space<hbm>>) target(%arg15 : memref<128x128xf32, #tpu.memory_space<vmem>>) offsets(%dma_start3A_196 : memref<128xi32, #tpu.memory_space<vmem>>) semaphore(%arg19 : memref<!tpu.dma_semaphore, #tpu.memory_space<semaphore_mem>>)
    %dma_start3A_200 = arith.constant 1 : i32
    %dma_start3A_201 = arith.constant 0 : i32
    %dma_start3A_202 = tpu.memref_slice %arg12[%dma_start3A_200, %dma_start3A_201] : memref<2x128xi32, #tpu.memory_space<vmem>> -> memref<1x128xi32, #tpu.memory_space<vmem>>
    %dma_start3A_203 = tpu.memref_squeeze %dma_start3A_202 : memref<1x128xi32, #tpu.memory_space<vmem>> -> memref<128xi32, #tpu.memory_space<vmem>>
    %dma_start3A_204 = arith.constant 0 : i32
    %dma_start3A_205 = arith.constant 0 : i32
    %dma_start3A_206 = tpu.memref_slice %arg7[%dma_start3A_204, %dma_start3A_205] : memref<7936x128xf32, #tpu.memory_space<hbm>> -> memref<7936x128xf32, #tpu.memory_space<hbm>>
    tpu.enqueue_indirect_dma source(%dma_start3A_206 : memref<7936x128xf32, #tpu.memory_space<hbm>>) target(%arg16 : memref<128x128xf32, #tpu.memory_space<vmem>>) offsets(%dma_start3A_203 : memref<128xi32, #tpu.memory_space<vmem>>) semaphore(%arg19 : memref<!tpu.dma_semaphore, #tpu.memory_space<semaphore_mem>>)
    %dma_wait3A = arith.constant 0 : i32
    %dma_wait3A_207 = arith.constant 0 : i32
    %dma_wait3A_208 = tpu.memref_slice %arg12[%dma_wait3A, %dma_wait3A_207] : memref<2x128xi32, #tpu.memory_space<vmem>> -> memref<1x128xi32, #tpu.memory_space<vmem>>
    %dma_wait3A_209 = tpu.memref_squeeze %dma_wait3A_208 : memref<1x128xi32, #tpu.memory_space<vmem>> -> memref<128xi32, #tpu.memory_space<vmem>>
    %dma_wait3A_210 = arith.constant 0 : i32
    %dma_wait3A_211 = arith.constant 0 : i32
    %dma_wait3A_212 = tpu.memref_slice %arg4[%dma_wait3A_210, %dma_wait3A_211] : memref<7936x128xf32, #tpu.memory_space<hbm>> -> memref<7936x128xf32, #tpu.memory_space<hbm>>
    tpu.wait_indirect_dma semaphore(%arg19 : memref<!tpu.dma_semaphore, #tpu.memory_space<semaphore_mem>>) src(%dma_wait3A_212 : memref<7936x128xf32, #tpu.memory_space<hbm>>) dst(%arg13 : memref<128x128xf32, #tpu.memory_space<vmem>>)
    %dma_wait3A_213 = arith.constant 0 : i32
    %dma_wait3A_214 = arith.constant 0 : i32
    %dma_wait3A_215 = tpu.memref_slice %arg12[%dma_wait3A_213, %dma_wait3A_214] : memref<2x128xi32, #tpu.memory_space<vmem>> -> memref<1x128xi32, #tpu.memory_space<vmem>>
    %dma_wait3A_216 = tpu.memref_squeeze %dma_wait3A_215 : memref<1x128xi32, #tpu.memory_space<vmem>> -> memref<128xi32, #tpu.memory_space<vmem>>
    %dma_wait3A_217 = arith.constant 0 : i32
    %dma_wait3A_218 = arith.constant 0 : i32
    %dma_wait3A_219 = tpu.memref_slice %arg5[%dma_wait3A_217, %dma_wait3A_218] : memref<7936x128xf32, #tpu.memory_space<hbm>> -> memref<7936x128xf32, #tpu.memory_space<hbm>>
    tpu.wait_indirect_dma semaphore(%arg19 : memref<!tpu.dma_semaphore, #tpu.memory_space<semaphore_mem>>) src(%dma_wait3A_219 : memref<7936x128xf32, #tpu.memory_space<hbm>>) dst(%arg14 : memref<128x128xf32, #tpu.memory_space<vmem>>)
    %dma_wait3A_220 = arith.constant 1 : i32
    %dma_wait3A_221 = arith.constant 0 : i32
    %dma_wait3A_222 = tpu.memref_slice %arg12[%dma_wait3A_220, %dma_wait3A_221] : memref<2x128xi32, #tpu.memory_space<vmem>> -> memref<1x128xi32, #tpu.memory_space<vmem>>
    %dma_wait3A_223 = tpu.memref_squeeze %dma_wait3A_222 : memref<1x128xi32, #tpu.memory_space<vmem>> -> memref<128xi32, #tpu.memory_space<vmem>>
    %dma_wait3A_224 = arith.constant 0 : i32
    %dma_wait3A_225 = arith.constant 0 : i32
    %dma_wait3A_226 = tpu.memref_slice %arg6[%dma_wait3A_224, %dma_wait3A_225] : memref<7936x128xf32, #tpu.memory_space<hbm>> -> memref<7936x128xf32, #tpu.memory_space<hbm>>
    tpu.wait_indirect_dma semaphore(%arg19 : memref<!tpu.dma_semaphore, #tpu.memory_space<semaphore_mem>>) src(%dma_wait3A_226 : memref<7936x128xf32, #tpu.memory_space<hbm>>) dst(%arg15 : memref<128x128xf32, #tpu.memory_space<vmem>>)
    %dma_wait3A_227 = arith.constant 1 : i32
    %dma_wait3A_228 = arith.constant 0 : i32
    %dma_wait3A_229 = tpu.memref_slice %arg12[%dma_wait3A_227, %dma_wait3A_228] : memref<2x128xi32, #tpu.memory_space<vmem>> -> memref<1x128xi32, #tpu.memory_space<vmem>>
    %dma_wait3A_230 = tpu.memref_squeeze %dma_wait3A_229 : memref<1x128xi32, #tpu.memory_space<vmem>> -> memref<128xi32, #tpu.memory_space<vmem>>
    %dma_wait3A_231 = arith.constant 0 : i32
    %dma_wait3A_232 = arith.constant 0 : i32
    %dma_wait3A_233 = tpu.memref_slice %arg7[%dma_wait3A_231, %dma_wait3A_232] : memref<7936x128xf32, #tpu.memory_space<hbm>> -> memref<7936x128xf32, #tpu.memory_space<hbm>>
    tpu.wait_indirect_dma semaphore(%arg19 : memref<!tpu.dma_semaphore, #tpu.memory_space<semaphore_mem>>) src(%dma_wait3A_233 : memref<7936x128xf32, #tpu.memory_space<hbm>>) dst(%arg16 : memref<128x128xf32, #tpu.memory_space<vmem>>)
    %scan3A = arith.constant 0 : i32
    %scan3A_234 = arith.constant 0 : i32
    %scan3A_235 = arith.constant 8 : i32
    %scan3A_236 = arith.addi %scan3A_234, %scan3A_235 : i32
    %scan3A_237 = arith.constant 1 : i32
    scf.for %scan3A_953 = %scan3A_234 to %scan3A_236 step %scan3A_237  : i32 {
      %mul3A_954 = arith.constant 16 : i32
      %mul3A_955 = arith.muli %scan3A_953, %mul3A_954 : i32
      %add3A_956 = vector.broadcast %mul3A_955 : i32 to vector<16xi32>
      %add3A_957 = arith.addi %add3A_956, %iota3A : vector<16xi32>
      %mul3A_958 = arith.constant 16 : i32
      %mul3A_959 = arith.muli %scan3A_953, %mul3A_958 : i32
      %get3A_960 = arith.constant 0 : i32
      %get3A_961 = arith.index_cast %get3A_960 : i32 to index
      %get3A_962 = arith.index_cast %mul3A_959 : i32 to index
      %get3A_963 = tpu.vector_load %arg10[%get3A_961, %get3A_962] {strides = array<i32>} : memref<4x128xi32, #tpu.memory_space<vmem>>, vector<16xi32>,
      %and3A = arith.constant 127 : i32
      %and3A_964 = vector.broadcast %and3A : i32 to vector<16xi32>
      %and3A_965 = arith.andi %get3A_963, %and3A_964 : vector<16xi32>
      %mul3A_966 = arith.constant 16 : i32
      %mul3A_967 = arith.muli %scan3A_953, %mul3A_966 : i32
      %get3A_968 = arith.constant 0 : i32
      %get3A_969 = arith.index_cast %get3A_968 : i32 to index
      %get3A_970 = arith.index_cast %mul3A_967 : i32 to index
      %get3A_971 = tpu.vector_load %arg11[%get3A_969, %get3A_970] {strides = array<i32>} : memref<4x128xi32, #tpu.memory_space<vmem>>, vector<16xi32>,
      %and3A_972 = arith.constant 127 : i32
      %and3A_973 = vector.broadcast %and3A_972 : i32 to vector<16xi32>
      %and3A_974 = arith.andi %get3A_971, %and3A_973 : vector<16xi32>
      %gather3A = tpu.vector_load_idx %arg13[%add3A_957, %and3A_965] : memref<128x128xf32, #tpu.memory_space<vmem>>[vector<16xi32>, vector<16xi32>], vector<16xf32>,
      %gather3A_975 = tpu.vector_load_idx %arg15[%add3A_957, %and3A_974] : memref<128x128xf32, #tpu.memory_space<vmem>>[vector<16xi32>, vector<16xi32>], vector<16xf32>,
      %add3A_976 = arith.addf %gather3A, %gather3A_975 : vector<16xf32>
      %gather3A_977 = tpu.vector_load_idx %arg14[%add3A_957, %and3A_965] : memref<128x128xf32, #tpu.memory_space<vmem>>[vector<16xi32>, vector<16xi32>], vector<16xf32>,
      %gather3A_978 = tpu.vector_load_idx %arg16[%add3A_957, %and3A_974] : memref<128x128xf32, #tpu.memory_space<vmem>>[vector<16xi32>, vector<16xi32>], vector<16xf32>,
      %add3A_979 = arith.addf %gather3A_977, %gather3A_978 : vector<16xf32>
      %add3A_980 = arith.constant 0 : i32
      %add3A_981 = arith.addi %add3A_980, %scan3A_953 : i32
      %mul3A_982 = arith.constant 16 : i32
      %mul3A_983 = arith.muli %add3A_981, %mul3A_982 : i32
      %swap3A_984 = arith.index_cast %mul3A_983 : i32 to index
      %swap3A_985 = tpu.vector_load %arg17[%swap3A_984] {strides = array<i32>} : memref<512xf32, #tpu.memory_space<vmem>>, vector<16xf32>,
      tpu.vector_store %arg17[%swap3A_984], %add3A_976 {strides = array<i32>} : memref<512xf32, #tpu.memory_space<vmem>>, vector<16xf32>,
      %swap3A_986 = arith.index_cast %mul3A_983 : i32 to index
      %swap3A_987 = tpu.vector_load %arg18[%swap3A_986] {strides = array<i32>} : memref<512xf32, #tpu.memory_space<vmem>>, vector<16xf32>,
      tpu.vector_store %arg18[%swap3A_986], %add3A_979 {strides = array<i32>} : memref<512xf32, #tpu.memory_space<vmem>>, vector<16xf32>,
    }
    %scan3A_238 = arith.constant 8 : i32
    %get3A_239 = arith.constant 1 : i32
    %get3A_240 = arith.index_cast %get3A_239 : i32 to index
    %get3A_241 = arith.constant 0 : index
    %get3A_242 = tpu.vector_load %arg10[%get3A_240, %get3A_241] {strides = array<i32>} : memref<4x128xi32, #tpu.memory_space<vmem>>, vector<16xi32>,
    %shift_right_logical3A_243 = arith.constant 7 : i32
    %shift_right_logical3A_244 = vector.broadcast %shift_right_logical3A_243 : i32 to vector<16xi32>
    %shift_right_logical3A_245 = arith.shrui %get3A_242, %shift_right_logical3A_244 : vector<16xi32>
    %swap3A_246 = arith.constant 0 : i32
    %swap3A_247 = arith.index_cast %swap3A_246 : i32 to index
    %swap3A_248 = arith.constant 0 : index
    %swap3A_249 = tpu.vector_load %arg12[%swap3A_247, %swap3A_248] {strides = array<i32>} : memref<2x128xi32, #tpu.memory_space<vmem>>, vector<16xi32>,
    tpu.vector_store %arg12[%swap3A_247, %swap3A_248], %shift_right_logical3A_245 {strides = array<i32>} : memref<2x128xi32, #tpu.memory_space<vmem>>, vector<16xi32>,
    %get3A_250 = arith.constant 1 : i32
    %get3A_251 = arith.index_cast %get3A_250 : i32 to index
    %get3A_252 = arith.constant 0 : index
    %get3A_253 = tpu.vector_load %arg11[%get3A_251, %get3A_252] {strides = array<i32>} : memref<4x128xi32, #tpu.memory_space<vmem>>, vector<16xi32>,
    %shift_right_logical3A_254 = arith.constant 7 : i32
    %shift_right_logical3A_255 = vector.broadcast %shift_right_logical3A_254 : i32 to vector<16xi32>
    %shift_right_logical3A_256 = arith.shrui %get3A_253, %shift_right_logical3A_255 : vector<16xi32>
    %swap3A_257 = arith.constant 1 : i32
    %swap3A_258 = arith.index_cast %swap3A_257 : i32 to index
    %swap3A_259 = arith.constant 0 : index
    %swap3A_260 = tpu.vector_load %arg12[%swap3A_258, %swap3A_259] {strides = array<i32>} : memref<2x128xi32, #tpu.memory_space<vmem>>, vector<16xi32>,
    tpu.vector_store %arg12[%swap3A_258, %swap3A_259], %shift_right_logical3A_256 {strides = array<i32>} : memref<2x128xi32, #tpu.memory_space<vmem>>, vector<16xi32>,
    %get3A_261 = arith.constant 1 : i32
    %get3A_262 = arith.index_cast %get3A_261 : i32 to index
    %get3A_263 = arith.constant 16 : index
    %get3A_264 = tpu.vector_load %arg10[%get3A_262, %get3A_263] {strides = array<i32>} : memref<4x128xi32, #tpu.memory_space<vmem>>, vector<16xi32>,
    %shift_right_logical3A_265 = arith.constant 7 : i32
    %shift_right_logical3A_266 = vector.broadcast %shift_right_logical3A_265 : i32 to vector<16xi32>
    %shift_right_logical3A_267 = arith.shrui %get3A_264, %shift_right_logical3A_266 : vector<16xi32>
    %swap3A_268 = arith.constant 0 : i32
    %swap3A_269 = arith.index_cast %swap3A_268 : i32 to index
    %swap3A_270 = arith.constant 16 : index
    %swap3A_271 = tpu.vector_load %arg12[%swap3A_269, %swap3A_270] {strides = array<i32>} : memref<2x128xi32, #tpu.memory_space<vmem>>, vector<16xi32>,
    tpu.vector_store %arg12[%swap3A_269, %swap3A_270], %shift_right_logical3A_267 {strides = array<i32>} : memref<2x128xi32, #tpu.memory_space<vmem>>, vector<16xi32>,
    %get3A_272 = arith.constant 1 : i32
    %get3A_273 = arith.index_cast %get3A_272 : i32 to index
    %get3A_274 = arith.constant 16 : index
    %get3A_275 = tpu.vector_load %arg11[%get3A_273, %get3A_274] {strides = array<i32>} : memref<4x128xi32, #tpu.memory_space<vmem>>, vector<16xi32>,
    %shift_right_logical3A_276 = arith.constant 7 : i32
    %shift_right_logical3A_277 = vector.broadcast %shift_right_logical3A_276 : i32 to vector<16xi32>
    %shift_right_logical3A_278 = arith.shrui %get3A_275, %shift_right_logical3A_277 : vector<16xi32>
    %swap3A_279 = arith.constant 1 : i32
    %swap3A_280 = arith.index_cast %swap3A_279 : i32 to index
    %swap3A_281 = arith.constant 16 : index
    %swap3A_282 = tpu.vector_load %arg12[%swap3A_280, %swap3A_281] {strides = array<i32>} : memref<2x128xi32, #tpu.memory_space<vmem>>, vector<16xi32>,
    tpu.vector_store %arg12[%swap3A_280, %swap3A_281], %shift_right_logical3A_278 {strides = array<i32>} : memref<2x128xi32, #tpu.memory_space<vmem>>, vector<16xi32>,
    %get3A_283 = arith.constant 1 : i32
    %get3A_284 = arith.index_cast %get3A_283 : i32 to index
    %get3A_285 = arith.constant 32 : index
    %get3A_286 = tpu.vector_load %arg10[%get3A_284, %get3A_285] {strides = array<i32>} : memref<4x128xi32, #tpu.memory_space<vmem>>, vector<16xi32>,
    %shift_right_logical3A_287 = arith.constant 7 : i32
    %shift_right_logical3A_288 = vector.broadcast %shift_right_logical3A_287 : i32 to vector<16xi32>
    %shift_right_logical3A_289 = arith.shrui %get3A_286, %shift_right_logical3A_288 : vector<16xi32>
    %swap3A_290 = arith.constant 0 : i32
    %swap3A_291 = arith.index_cast %swap3A_290 : i32 to index
    %swap3A_292 = arith.constant 32 : index
    %swap3A_293 = tpu.vector_load %arg12[%swap3A_291, %swap3A_292] {strides = array<i32>} : memref<2x128xi32, #tpu.memory_space<vmem>>, vector<16xi32>,
    tpu.vector_store %arg12[%swap3A_291, %swap3A_292], %shift_right_logical3A_289 {strides = array<i32>} : memref<2x128xi32, #tpu.memory_space<vmem>>, vector<16xi32>,
    %get3A_294 = arith.constant 1 : i32
    %get3A_295 = arith.index_cast %get3A_294 : i32 to index
    %get3A_296 = arith.constant 32 : index
    %get3A_297 = tpu.vector_load %arg11[%get3A_295, %get3A_296] {strides = array<i32>} : memref<4x128xi32, #tpu.memory_space<vmem>>, vector<16xi32>,
    %shift_right_logical3A_298 = arith.constant 7 : i32
    %shift_right_logical3A_299 = vector.broadcast %shift_right_logical3A_298 : i32 to vector<16xi32>
    %shift_right_logical3A_300 = arith.shrui %get3A_297, %shift_right_logical3A_299 : vector<16xi32>
    %swap3A_301 = arith.constant 1 : i32
    %swap3A_302 = arith.index_cast %swap3A_301 : i32 to index
    %swap3A_303 = arith.constant 32 : index
    %swap3A_304 = tpu.vector_load %arg12[%swap3A_302, %swap3A_303] {strides = array<i32>} : memref<2x128xi32, #tpu.memory_space<vmem>>, vector<16xi32>,
    tpu.vector_store %arg12[%swap3A_302, %swap3A_303], %shift_right_logical3A_300 {strides = array<i32>} : memref<2x128xi32, #tpu.memory_space<vmem>>, vector<16xi32>,
    %get3A_305 = arith.constant 1 : i32
    %get3A_306 = arith.index_cast %get3A_305 : i32 to index
    %get3A_307 = arith.constant 48 : index
    %get3A_308 = tpu.vector_load %arg10[%get3A_306, %get3A_307] {strides = array<i32>} : memref<4x128xi32, #tpu.memory_space<vmem>>, vector<16xi32>,
    %shift_right_logical3A_309 = arith.constant 7 : i32
    %shift_right_logical3A_310 = vector.broadcast %shift_right_logical3A_309 : i32 to vector<16xi32>
    %shift_right_logical3A_311 = arith.shrui %get3A_308, %shift_right_logical3A_310 : vector<16xi32>
    %swap3A_312 = arith.constant 0 : i32
    %swap3A_313 = arith.index_cast %swap3A_312 : i32 to index
    %swap3A_314 = arith.constant 48 : index
    %swap3A_315 = tpu.vector_load %arg12[%swap3A_313, %swap3A_314] {strides = array<i32>} : memref<2x128xi32, #tpu.memory_space<vmem>>, vector<16xi32>,
    tpu.vector_store %arg12[%swap3A_313, %swap3A_314], %shift_right_logical3A_311 {strides = array<i32>} : memref<2x128xi32, #tpu.memory_space<vmem>>, vector<16xi32>,
    %get3A_316 = arith.constant 1 : i32
    %get3A_317 = arith.index_cast %get3A_316 : i32 to index
    %get3A_318 = arith.constant 48 : index
    %get3A_319 = tpu.vector_load %arg11[%get3A_317, %get3A_318] {strides = array<i32>} : memref<4x128xi32, #tpu.memory_space<vmem>>, vector<16xi32>,
    %shift_right_logical3A_320 = arith.constant 7 : i32
    %shift_right_logical3A_321 = vector.broadcast %shift_right_logical3A_320 : i32 to vector<16xi32>
    %shift_right_logical3A_322 = arith.shrui %get3A_319, %shift_right_logical3A_321 : vector<16xi32>
    %swap3A_323 = arith.constant 1 : i32
    %swap3A_324 = arith.index_cast %swap3A_323 : i32 to index
    %swap3A_325 = arith.constant 48 : index
    %swap3A_326 = tpu.vector_load %arg12[%swap3A_324, %swap3A_325] {strides = array<i32>} : memref<2x128xi32, #tpu.memory_space<vmem>>, vector<16xi32>,
    tpu.vector_store %arg12[%swap3A_324, %swap3A_325], %shift_right_logical3A_322 {strides = array<i32>} : memref<2x128xi32, #tpu.memory_space<vmem>>, vector<16xi32>,
    %get3A_327 = arith.constant 1 : i32
    %get3A_328 = arith.index_cast %get3A_327 : i32 to index
    %get3A_329 = arith.constant 64 : index
    %get3A_330 = tpu.vector_load %arg10[%get3A_328, %get3A_329] {strides = array<i32>} : memref<4x128xi32, #tpu.memory_space<vmem>>, vector<16xi32>,
    %shift_right_logical3A_331 = arith.constant 7 : i32
    %shift_right_logical3A_332 = vector.broadcast %shift_right_logical3A_331 : i32 to vector<16xi32>
    %shift_right_logical3A_333 = arith.shrui %get3A_330, %shift_right_logical3A_332 : vector<16xi32>
    %swap3A_334 = arith.constant 0 : i32
    %swap3A_335 = arith.index_cast %swap3A_334 : i32 to index
    %swap3A_336 = arith.constant 64 : index
    %swap3A_337 = tpu.vector_load %arg12[%swap3A_335, %swap3A_336] {strides = array<i32>} : memref<2x128xi32, #tpu.memory_space<vmem>>, vector<16xi32>,
    tpu.vector_store %arg12[%swap3A_335, %swap3A_336], %shift_right_logical3A_333 {strides = array<i32>} : memref<2x128xi32, #tpu.memory_space<vmem>>, vector<16xi32>,
    %get3A_338 = arith.constant 1 : i32
    %get3A_339 = arith.index_cast %get3A_338 : i32 to index
    %get3A_340 = arith.constant 64 : index
    %get3A_341 = tpu.vector_load %arg11[%get3A_339, %get3A_340] {strides = array<i32>} : memref<4x128xi32, #tpu.memory_space<vmem>>, vector<16xi32>,
    %shift_right_logical3A_342 = arith.constant 7 : i32
    %shift_right_logical3A_343 = vector.broadcast %shift_right_logical3A_342 : i32 to vector<16xi32>
    %shift_right_logical3A_344 = arith.shrui %get3A_341, %shift_right_logical3A_343 : vector<16xi32>
    %swap3A_345 = arith.constant 1 : i32
    %swap3A_346 = arith.index_cast %swap3A_345 : i32 to index
    %swap3A_347 = arith.constant 64 : index
    %swap3A_348 = tpu.vector_load %arg12[%swap3A_346, %swap3A_347] {strides = array<i32>} : memref<2x128xi32, #tpu.memory_space<vmem>>, vector<16xi32>,
    tpu.vector_store %arg12[%swap3A_346, %swap3A_347], %shift_right_logical3A_344 {strides = array<i32>} : memref<2x128xi32, #tpu.memory_space<vmem>>, vector<16xi32>,
    %get3A_349 = arith.constant 1 : i32
    %get3A_350 = arith.index_cast %get3A_349 : i32 to index
    %get3A_351 = arith.constant 80 : index
    %get3A_352 = tpu.vector_load %arg10[%get3A_350, %get3A_351] {strides = array<i32>} : memref<4x128xi32, #tpu.memory_space<vmem>>, vector<16xi32>,
    %shift_right_logical3A_353 = arith.constant 7 : i32
    %shift_right_logical3A_354 = vector.broadcast %shift_right_logical3A_353 : i32 to vector<16xi32>
    %shift_right_logical3A_355 = arith.shrui %get3A_352, %shift_right_logical3A_354 : vector<16xi32>
    %swap3A_356 = arith.constant 0 : i32
    %swap3A_357 = arith.index_cast %swap3A_356 : i32 to index
    %swap3A_358 = arith.constant 80 : index
    %swap3A_359 = tpu.vector_load %arg12[%swap3A_357, %swap3A_358] {strides = array<i32>} : memref<2x128xi32, #tpu.memory_space<vmem>>, vector<16xi32>,
    tpu.vector_store %arg12[%swap3A_357, %swap3A_358], %shift_right_logical3A_355 {strides = array<i32>} : memref<2x128xi32, #tpu.memory_space<vmem>>, vector<16xi32>,
    %get3A_360 = arith.constant 1 : i32
    %get3A_361 = arith.index_cast %get3A_360 : i32 to index
    %get3A_362 = arith.constant 80 : index
    %get3A_363 = tpu.vector_load %arg11[%get3A_361, %get3A_362] {strides = array<i32>} : memref<4x128xi32, #tpu.memory_space<vmem>>, vector<16xi32>,
    %shift_right_logical3A_364 = arith.constant 7 : i32
    %shift_right_logical3A_365 = vector.broadcast %shift_right_logical3A_364 : i32 to vector<16xi32>
    %shift_right_logical3A_366 = arith.shrui %get3A_363, %shift_right_logical3A_365 : vector<16xi32>
    %swap3A_367 = arith.constant 1 : i32
    %swap3A_368 = arith.index_cast %swap3A_367 : i32 to index
    %swap3A_369 = arith.constant 80 : index
    %swap3A_370 = tpu.vector_load %arg12[%swap3A_368, %swap3A_369] {strides = array<i32>} : memref<2x128xi32, #tpu.memory_space<vmem>>, vector<16xi32>,
    tpu.vector_store %arg12[%swap3A_368, %swap3A_369], %shift_right_logical3A_366 {strides = array<i32>} : memref<2x128xi32, #tpu.memory_space<vmem>>, vector<16xi32>,
    %get3A_371 = arith.constant 1 : i32
    %get3A_372 = arith.index_cast %get3A_371 : i32 to index
    %get3A_373 = arith.constant 96 : index
    %get3A_374 = tpu.vector_load %arg10[%get3A_372, %get3A_373] {strides = array<i32>} : memref<4x128xi32, #tpu.memory_space<vmem>>, vector<16xi32>,
    %shift_right_logical3A_375 = arith.constant 7 : i32
    %shift_right_logical3A_376 = vector.broadcast %shift_right_logical3A_375 : i32 to vector<16xi32>
    %shift_right_logical3A_377 = arith.shrui %get3A_374, %shift_right_logical3A_376 : vector<16xi32>
    %swap3A_378 = arith.constant 0 : i32
    %swap3A_379 = arith.index_cast %swap3A_378 : i32 to index
    %swap3A_380 = arith.constant 96 : index
    %swap3A_381 = tpu.vector_load %arg12[%swap3A_379, %swap3A_380] {strides = array<i32>} : memref<2x128xi32, #tpu.memory_space<vmem>>, vector<16xi32>,
    tpu.vector_store %arg12[%swap3A_379, %swap3A_380], %shift_right_logical3A_377 {strides = array<i32>} : memref<2x128xi32, #tpu.memory_space<vmem>>, vector<16xi32>,
    %get3A_382 = arith.constant 1 : i32
    %get3A_383 = arith.index_cast %get3A_382 : i32 to index
    %get3A_384 = arith.constant 96 : index
    %get3A_385 = tpu.vector_load %arg11[%get3A_383, %get3A_384] {strides = array<i32>} : memref<4x128xi32, #tpu.memory_space<vmem>>, vector<16xi32>,
    %shift_right_logical3A_386 = arith.constant 7 : i32
    %shift_right_logical3A_387 = vector.broadcast %shift_right_logical3A_386 : i32 to vector<16xi32>
    %shift_right_logical3A_388 = arith.shrui %get3A_385, %shift_right_logical3A_387 : vector<16xi32>
    %swap3A_389 = arith.constant 1 : i32
    %swap3A_390 = arith.index_cast %swap3A_389 : i32 to index
    %swap3A_391 = arith.constant 96 : index
    %swap3A_392 = tpu.vector_load %arg12[%swap3A_390, %swap3A_391] {strides = array<i32>} : memref<2x128xi32, #tpu.memory_space<vmem>>, vector<16xi32>,
    tpu.vector_store %arg12[%swap3A_390, %swap3A_391], %shift_right_logical3A_388 {strides = array<i32>} : memref<2x128xi32, #tpu.memory_space<vmem>>, vector<16xi32>,
    %get3A_393 = arith.constant 1 : i32
    %get3A_394 = arith.index_cast %get3A_393 : i32 to index
    %get3A_395 = arith.constant 112 : index
    %get3A_396 = tpu.vector_load %arg10[%get3A_394, %get3A_395] {strides = array<i32>} : memref<4x128xi32, #tpu.memory_space<vmem>>, vector<16xi32>,
    %shift_right_logical3A_397 = arith.constant 7 : i32
    %shift_right_logical3A_398 = vector.broadcast %shift_right_logical3A_397 : i32 to vector<16xi32>
    %shift_right_logical3A_399 = arith.shrui %get3A_396, %shift_right_logical3A_398 : vector<16xi32>
    %swap3A_400 = arith.constant 0 : i32
    %swap3A_401 = arith.index_cast %swap3A_400 : i32 to index
    %swap3A_402 = arith.constant 112 : index
    %swap3A_403 = tpu.vector_load %arg12[%swap3A_401, %swap3A_402] {strides = array<i32>} : memref<2x128xi32, #tpu.memory_space<vmem>>, vector<16xi32>,
    tpu.vector_store %arg12[%swap3A_401, %swap3A_402], %shift_right_logical3A_399 {strides = array<i32>} : memref<2x128xi32, #tpu.memory_space<vmem>>, vector<16xi32>,
    %get3A_404 = arith.constant 1 : i32
    %get3A_405 = arith.index_cast %get3A_404 : i32 to index
    %get3A_406 = arith.constant 112 : index
    %get3A_407 = tpu.vector_load %arg11[%get3A_405, %get3A_406] {strides = array<i32>} : memref<4x128xi32, #tpu.memory_space<vmem>>, vector<16xi32>,
    %shift_right_logical3A_408 = arith.constant 7 : i32
    %shift_right_logical3A_409 = vector.broadcast %shift_right_logical3A_408 : i32 to vector<16xi32>
    %shift_right_logical3A_410 = arith.shrui %get3A_407, %shift_right_logical3A_409 : vector<16xi32>
    %swap3A_411 = arith.constant 1 : i32
    %swap3A_412 = arith.index_cast %swap3A_411 : i32 to index
    %swap3A_413 = arith.constant 112 : index
    %swap3A_414 = tpu.vector_load %arg12[%swap3A_412, %swap3A_413] {strides = array<i32>} : memref<2x128xi32, #tpu.memory_space<vmem>>, vector<16xi32>,
    tpu.vector_store %arg12[%swap3A_412, %swap3A_413], %shift_right_logical3A_410 {strides = array<i32>} : memref<2x128xi32, #tpu.memory_space<vmem>>, vector<16xi32>,
    %dma_start3A_415 = arith.constant 0 : i32
    %dma_start3A_416 = arith.constant 0 : i32
    %dma_start3A_417 = tpu.memref_slice %arg12[%dma_start3A_415, %dma_start3A_416] : memref<2x128xi32, #tpu.memory_space<vmem>> -> memref<1x128xi32, #tpu.memory_space<vmem>>
    %dma_start3A_418 = tpu.memref_squeeze %dma_start3A_417 : memref<1x128xi32, #tpu.memory_space<vmem>> -> memref<128xi32, #tpu.memory_space<vmem>>
    %dma_start3A_419 = arith.constant 0 : i32
    %dma_start3A_420 = arith.constant 0 : i32
    %dma_start3A_421 = tpu.memref_slice %arg4[%dma_start3A_419, %dma_start3A_420] : memref<7936x128xf32, #tpu.memory_space<hbm>> -> memref<7936x128xf32, #tpu.memory_space<hbm>>
    tpu.enqueue_indirect_dma source(%dma_start3A_421 : memref<7936x128xf32, #tpu.memory_space<hbm>>) target(%arg13 : memref<128x128xf32, #tpu.memory_space<vmem>>) offsets(%dma_start3A_418 : memref<128xi32, #tpu.memory_space<vmem>>) semaphore(%arg19 : memref<!tpu.dma_semaphore, #tpu.memory_space<semaphore_mem>>)
    %dma_start3A_422 = arith.constant 0 : i32
    %dma_start3A_423 = arith.constant 0 : i32
    %dma_start3A_424 = tpu.memref_slice %arg12[%dma_start3A_422, %dma_start3A_423] : memref<2x128xi32, #tpu.memory_space<vmem>> -> memref<1x128xi32, #tpu.memory_space<vmem>>
    %dma_start3A_425 = tpu.memref_squeeze %dma_start3A_424 : memref<1x128xi32, #tpu.memory_space<vmem>> -> memref<128xi32, #tpu.memory_space<vmem>>
    %dma_start3A_426 = arith.constant 0 : i32
    %dma_start3A_427 = arith.constant 0 : i32
    %dma_start3A_428 = tpu.memref_slice %arg5[%dma_start3A_426, %dma_start3A_427] : memref<7936x128xf32, #tpu.memory_space<hbm>> -> memref<7936x128xf32, #tpu.memory_space<hbm>>
    tpu.enqueue_indirect_dma source(%dma_start3A_428 : memref<7936x128xf32, #tpu.memory_space<hbm>>) target(%arg14 : memref<128x128xf32, #tpu.memory_space<vmem>>) offsets(%dma_start3A_425 : memref<128xi32, #tpu.memory_space<vmem>>) semaphore(%arg19 : memref<!tpu.dma_semaphore, #tpu.memory_space<semaphore_mem>>)
    %dma_start3A_429 = arith.constant 1 : i32
    %dma_start3A_430 = arith.constant 0 : i32
    %dma_start3A_431 = tpu.memref_slice %arg12[%dma_start3A_429, %dma_start3A_430] : memref<2x128xi32, #tpu.memory_space<vmem>> -> memref<1x128xi32, #tpu.memory_space<vmem>>
    %dma_start3A_432 = tpu.memref_squeeze %dma_start3A_431 : memref<1x128xi32, #tpu.memory_space<vmem>> -> memref<128xi32, #tpu.memory_space<vmem>>
    %dma_start3A_433 = arith.constant 0 : i32
    %dma_start3A_434 = arith.constant 0 : i32
    %dma_start3A_435 = tpu.memref_slice %arg6[%dma_start3A_433, %dma_start3A_434] : memref<7936x128xf32, #tpu.memory_space<hbm>> -> memref<7936x128xf32, #tpu.memory_space<hbm>>
    tpu.enqueue_indirect_dma source(%dma_start3A_435 : memref<7936x128xf32, #tpu.memory_space<hbm>>) target(%arg15 : memref<128x128xf32, #tpu.memory_space<vmem>>) offsets(%dma_start3A_432 : memref<128xi32, #tpu.memory_space<vmem>>) semaphore(%arg19 : memref<!tpu.dma_semaphore, #tpu.memory_space<semaphore_mem>>)
    %dma_start3A_436 = arith.constant 1 : i32
    %dma_start3A_437 = arith.constant 0 : i32
    %dma_start3A_438 = tpu.memref_slice %arg12[%dma_start3A_436, %dma_start3A_437] : memref<2x128xi32, #tpu.memory_space<vmem>> -> memref<1x128xi32, #tpu.memory_space<vmem>>
    %dma_start3A_439 = tpu.memref_squeeze %dma_start3A_438 : memref<1x128xi32, #tpu.memory_space<vmem>> -> memref<128xi32, #tpu.memory_space<vmem>>
    %dma_start3A_440 = arith.constant 0 : i32
    %dma_start3A_441 = arith.constant 0 : i32
    %dma_start3A_442 = tpu.memref_slice %arg7[%dma_start3A_440, %dma_start3A_441] : memref<7936x128xf32, #tpu.memory_space<hbm>> -> memref<7936x128xf32, #tpu.memory_space<hbm>>
    tpu.enqueue_indirect_dma source(%dma_start3A_442 : memref<7936x128xf32, #tpu.memory_space<hbm>>) target(%arg16 : memref<128x128xf32, #tpu.memory_space<vmem>>) offsets(%dma_start3A_439 : memref<128xi32, #tpu.memory_space<vmem>>) semaphore(%arg19 : memref<!tpu.dma_semaphore, #tpu.memory_space<semaphore_mem>>)
    %dma_wait3A_443 = arith.constant 0 : i32
    %dma_wait3A_444 = arith.constant 0 : i32
    %dma_wait3A_445 = tpu.memref_slice %arg12[%dma_wait3A_443, %dma_wait3A_444] : memref<2x128xi32, #tpu.memory_space<vmem>> -> memref<1x128xi32, #tpu.memory_space<vmem>>
    %dma_wait3A_446 = tpu.memref_squeeze %dma_wait3A_445 : memref<1x128xi32, #tpu.memory_space<vmem>> -> memref<128xi32, #tpu.memory_space<vmem>>
    %dma_wait3A_447 = arith.constant 0 : i32
    %dma_wait3A_448 = arith.constant 0 : i32
    %dma_wait3A_449 = tpu.memref_slice %arg4[%dma_wait3A_447, %dma_wait3A_448] : memref<7936x128xf32, #tpu.memory_space<hbm>> -> memref<7936x128xf32, #tpu.memory_space<hbm>>
    tpu.wait_indirect_dma semaphore(%arg19 : memref<!tpu.dma_semaphore, #tpu.memory_space<semaphore_mem>>) src(%dma_wait3A_449 : memref<7936x128xf32, #tpu.memory_space<hbm>>) dst(%arg13 : memref<128x128xf32, #tpu.memory_space<vmem>>)
    %dma_wait3A_450 = arith.constant 0 : i32
    %dma_wait3A_451 = arith.constant 0 : i32
    %dma_wait3A_452 = tpu.memref_slice %arg12[%dma_wait3A_450, %dma_wait3A_451] : memref<2x128xi32, #tpu.memory_space<vmem>> -> memref<1x128xi32, #tpu.memory_space<vmem>>
    %dma_wait3A_453 = tpu.memref_squeeze %dma_wait3A_452 : memref<1x128xi32, #tpu.memory_space<vmem>> -> memref<128xi32, #tpu.memory_space<vmem>>
    %dma_wait3A_454 = arith.constant 0 : i32
    %dma_wait3A_455 = arith.constant 0 : i32
    %dma_wait3A_456 = tpu.memref_slice %arg5[%dma_wait3A_454, %dma_wait3A_455] : memref<7936x128xf32, #tpu.memory_space<hbm>> -> memref<7936x128xf32, #tpu.memory_space<hbm>>
    tpu.wait_indirect_dma semaphore(%arg19 : memref<!tpu.dma_semaphore, #tpu.memory_space<semaphore_mem>>) src(%dma_wait3A_456 : memref<7936x128xf32, #tpu.memory_space<hbm>>) dst(%arg14 : memref<128x128xf32, #tpu.memory_space<vmem>>)
    %dma_wait3A_457 = arith.constant 1 : i32
    %dma_wait3A_458 = arith.constant 0 : i32
    %dma_wait3A_459 = tpu.memref_slice %arg12[%dma_wait3A_457, %dma_wait3A_458] : memref<2x128xi32, #tpu.memory_space<vmem>> -> memref<1x128xi32, #tpu.memory_space<vmem>>
    %dma_wait3A_460 = tpu.memref_squeeze %dma_wait3A_459 : memref<1x128xi32, #tpu.memory_space<vmem>> -> memref<128xi32, #tpu.memory_space<vmem>>
    %dma_wait3A_461 = arith.constant 0 : i32
    %dma_wait3A_462 = arith.constant 0 : i32
    %dma_wait3A_463 = tpu.memref_slice %arg6[%dma_wait3A_461, %dma_wait3A_462] : memref<7936x128xf32, #tpu.memory_space<hbm>> -> memref<7936x128xf32, #tpu.memory_space<hbm>>
    tpu.wait_indirect_dma semaphore(%arg19 : memref<!tpu.dma_semaphore, #tpu.memory_space<semaphore_mem>>) src(%dma_wait3A_463 : memref<7936x128xf32, #tpu.memory_space<hbm>>) dst(%arg15 : memref<128x128xf32, #tpu.memory_space<vmem>>)
    %dma_wait3A_464 = arith.constant 1 : i32
    %dma_wait3A_465 = arith.constant 0 : i32
    %dma_wait3A_466 = tpu.memref_slice %arg12[%dma_wait3A_464, %dma_wait3A_465] : memref<2x128xi32, #tpu.memory_space<vmem>> -> memref<1x128xi32, #tpu.memory_space<vmem>>
    %dma_wait3A_467 = tpu.memref_squeeze %dma_wait3A_466 : memref<1x128xi32, #tpu.memory_space<vmem>> -> memref<128xi32, #tpu.memory_space<vmem>>
    %dma_wait3A_468 = arith.constant 0 : i32
    %dma_wait3A_469 = arith.constant 0 : i32
    %dma_wait3A_470 = tpu.memref_slice %arg7[%dma_wait3A_468, %dma_wait3A_469] : memref<7936x128xf32, #tpu.memory_space<hbm>> -> memref<7936x128xf32, #tpu.memory_space<hbm>>
    tpu.wait_indirect_dma semaphore(%arg19 : memref<!tpu.dma_semaphore, #tpu.memory_space<semaphore_mem>>) src(%dma_wait3A_470 : memref<7936x128xf32, #tpu.memory_space<hbm>>) dst(%arg16 : memref<128x128xf32, #tpu.memory_space<vmem>>)
    %scan3A_471 = arith.constant 0 : i32
    %scan3A_472 = arith.constant 0 : i32
    %scan3A_473 = arith.constant 8 : i32
    %scan3A_474 = arith.addi %scan3A_472, %scan3A_473 : i32
    %scan3A_475 = arith.constant 1 : i32
    scf.for %scan3A_953 = %scan3A_472 to %scan3A_474 step %scan3A_475  : i32 {
      %mul3A_954 = arith.constant 16 : i32
      %mul3A_955 = arith.muli %scan3A_953, %mul3A_954 : i32
      %add3A_956 = vector.broadcast %mul3A_955 : i32 to vector<16xi32>
      %add3A_957 = arith.addi %add3A_956, %iota3A : vector<16xi32>
      %mul3A_958 = arith.constant 16 : i32
      %mul3A_959 = arith.muli %scan3A_953, %mul3A_958 : i32
      %get3A_960 = arith.constant 1 : i32
      %get3A_961 = arith.index_cast %get3A_960 : i32 to index
      %get3A_962 = arith.index_cast %mul3A_959 : i32 to index
      %get3A_963 = tpu.vector_load %arg10[%get3A_961, %get3A_962] {strides = array<i32>} : memref<4x128xi32, #tpu.memory_space<vmem>>, vector<16xi32>,
      %and3A = arith.constant 127 : i32
      %and3A_964 = vector.broadcast %and3A : i32 to vector<16xi32>
      %and3A_965 = arith.andi %get3A_963, %and3A_964 : vector<16xi32>
      %mul3A_966 = arith.constant 16 : i32
      %mul3A_967 = arith.muli %scan3A_953, %mul3A_966 : i32
      %get3A_968 = arith.constant 1 : i32
      %get3A_969 = arith.index_cast %get3A_968 : i32 to index
      %get3A_970 = arith.index_cast %mul3A_967 : i32 to index
      %get3A_971 = tpu.vector_load %arg11[%get3A_969, %get3A_970] {strides = array<i32>} : memref<4x128xi32, #tpu.memory_space<vmem>>, vector<16xi32>,
      %and3A_972 = arith.constant 127 : i32
      %and3A_973 = vector.broadcast %and3A_972 : i32 to vector<16xi32>
      %and3A_974 = arith.andi %get3A_971, %and3A_973 : vector<16xi32>
      %gather3A = tpu.vector_load_idx %arg13[%add3A_957, %and3A_965] : memref<128x128xf32, #tpu.memory_space<vmem>>[vector<16xi32>, vector<16xi32>], vector<16xf32>,
      %gather3A_975 = tpu.vector_load_idx %arg15[%add3A_957, %and3A_974] : memref<128x128xf32, #tpu.memory_space<vmem>>[vector<16xi32>, vector<16xi32>], vector<16xf32>,
      %add3A_976 = arith.addf %gather3A, %gather3A_975 : vector<16xf32>
      %gather3A_977 = tpu.vector_load_idx %arg14[%add3A_957, %and3A_965] : memref<128x128xf32, #tpu.memory_space<vmem>>[vector<16xi32>, vector<16xi32>], vector<16xf32>,
      %gather3A_978 = tpu.vector_load_idx %arg16[%add3A_957, %and3A_974] : memref<128x128xf32, #tpu.memory_space<vmem>>[vector<16xi32>, vector<16xi32>], vector<16xf32>,
      %add3A_979 = arith.addf %gather3A_977, %gather3A_978 : vector<16xf32>
      %add3A_980 = arith.constant 8 : i32
      %add3A_981 = arith.addi %add3A_980, %scan3A_953 : i32
      %mul3A_982 = arith.constant 16 : i32
      %mul3A_983 = arith.muli %add3A_981, %mul3A_982 : i32
      %swap3A_984 = arith.index_cast %mul3A_983 : i32 to index
      %swap3A_985 = tpu.vector_load %arg17[%swap3A_984] {strides = array<i32>} : memref<512xf32, #tpu.memory_space<vmem>>, vector<16xf32>,
      tpu.vector_store %arg17[%swap3A_984], %add3A_976 {strides = array<i32>} : memref<512xf32, #tpu.memory_space<vmem>>, vector<16xf32>,
      %swap3A_986 = arith.index_cast %mul3A_983 : i32 to index
      %swap3A_987 = tpu.vector_load %arg18[%swap3A_986] {strides = array<i32>} : memref<512xf32, #tpu.memory_space<vmem>>, vector<16xf32>,
      tpu.vector_store %arg18[%swap3A_986], %add3A_979 {strides = array<i32>} : memref<512xf32, #tpu.memory_space<vmem>>, vector<16xf32>,
    }
    %scan3A_476 = arith.constant 8 : i32
    %get3A_477 = arith.constant 2 : i32
    %get3A_478 = arith.index_cast %get3A_477 : i32 to index
    %get3A_479 = arith.constant 0 : index
    %get3A_480 = tpu.vector_load %arg10[%get3A_478, %get3A_479] {strides = array<i32>} : memref<4x128xi32, #tpu.memory_space<vmem>>, vector<16xi32>,
    %shift_right_logical3A_481 = arith.constant 7 : i32
    %shift_right_logical3A_482 = vector.broadcast %shift_right_logical3A_481 : i32 to vector<16xi32>
    %shift_right_logical3A_483 = arith.shrui %get3A_480, %shift_right_logical3A_482 : vector<16xi32>
    %swap3A_484 = arith.constant 0 : i32
    %swap3A_485 = arith.index_cast %swap3A_484 : i32 to index
    %swap3A_486 = arith.constant 0 : index
    %swap3A_487 = tpu.vector_load %arg12[%swap3A_485, %swap3A_486] {strides = array<i32>} : memref<2x128xi32, #tpu.memory_space<vmem>>, vector<16xi32>,
    tpu.vector_store %arg12[%swap3A_485, %swap3A_486], %shift_right_logical3A_483 {strides = array<i32>} : memref<2x128xi32, #tpu.memory_space<vmem>>, vector<16xi32>,
    %get3A_488 = arith.constant 2 : i32
    %get3A_489 = arith.index_cast %get3A_488 : i32 to index
    %get3A_490 = arith.constant 0 : index
    %get3A_491 = tpu.vector_load %arg11[%get3A_489, %get3A_490] {strides = array<i32>} : memref<4x128xi32, #tpu.memory_space<vmem>>, vector<16xi32>,
    %shift_right_logical3A_492 = arith.constant 7 : i32
    %shift_right_logical3A_493 = vector.broadcast %shift_right_logical3A_492 : i32 to vector<16xi32>
    %shift_right_logical3A_494 = arith.shrui %get3A_491, %shift_right_logical3A_493 : vector<16xi32>
    %swap3A_495 = arith.constant 1 : i32
    %swap3A_496 = arith.index_cast %swap3A_495 : i32 to index
    %swap3A_497 = arith.constant 0 : index
    %swap3A_498 = tpu.vector_load %arg12[%swap3A_496, %swap3A_497] {strides = array<i32>} : memref<2x128xi32, #tpu.memory_space<vmem>>, vector<16xi32>,
    tpu.vector_store %arg12[%swap3A_496, %swap3A_497], %shift_right_logical3A_494 {strides = array<i32>} : memref<2x128xi32, #tpu.memory_space<vmem>>, vector<16xi32>,
    %get3A_499 = arith.constant 2 : i32
    %get3A_500 = arith.index_cast %get3A_499 : i32 to index
    %get3A_501 = arith.constant 16 : index
    %get3A_502 = tpu.vector_load %arg10[%get3A_500, %get3A_501] {strides = array<i32>} : memref<4x128xi32, #tpu.memory_space<vmem>>, vector<16xi32>,
    %shift_right_logical3A_503 = arith.constant 7 : i32
    %shift_right_logical3A_504 = vector.broadcast %shift_right_logical3A_503 : i32 to vector<16xi32>
    %shift_right_logical3A_505 = arith.shrui %get3A_502, %shift_right_logical3A_504 : vector<16xi32>
    %swap3A_506 = arith.constant 0 : i32
    %swap3A_507 = arith.index_cast %swap3A_506 : i32 to index
    %swap3A_508 = arith.constant 16 : index
    %swap3A_509 = tpu.vector_load %arg12[%swap3A_507, %swap3A_508] {strides = array<i32>} : memref<2x128xi32, #tpu.memory_space<vmem>>, vector<16xi32>,
    tpu.vector_store %arg12[%swap3A_507, %swap3A_508], %shift_right_logical3A_505 {strides = array<i32>} : memref<2x128xi32, #tpu.memory_space<vmem>>, vector<16xi32>,
    %get3A_510 = arith.constant 2 : i32
    %get3A_511 = arith.index_cast %get3A_510 : i32 to index
    %get3A_512 = arith.constant 16 : index
    %get3A_513 = tpu.vector_load %arg11[%get3A_511, %get3A_512] {strides = array<i32>} : memref<4x128xi32, #tpu.memory_space<vmem>>, vector<16xi32>,
    %shift_right_logical3A_514 = arith.constant 7 : i32
    %shift_right_logical3A_515 = vector.broadcast %shift_right_logical3A_514 : i32 to vector<16xi32>
    %shift_right_logical3A_516 = arith.shrui %get3A_513, %shift_right_logical3A_515 : vector<16xi32>
    %swap3A_517 = arith.constant 1 : i32
    %swap3A_518 = arith.index_cast %swap3A_517 : i32 to index
    %swap3A_519 = arith.constant 16 : index
    %swap3A_520 = tpu.vector_load %arg12[%swap3A_518, %swap3A_519] {strides = array<i32>} : memref<2x128xi32, #tpu.memory_space<vmem>>, vector<16xi32>,
    tpu.vector_store %arg12[%swap3A_518, %swap3A_519], %shift_right_logical3A_516 {strides = array<i32>} : memref<2x128xi32, #tpu.memory_space<vmem>>, vector<16xi32>,
    %get3A_521 = arith.constant 2 : i32
    %get3A_522 = arith.index_cast %get3A_521 : i32 to index
    %get3A_523 = arith.constant 32 : index
    %get3A_524 = tpu.vector_load %arg10[%get3A_522, %get3A_523] {strides = array<i32>} : memref<4x128xi32, #tpu.memory_space<vmem>>, vector<16xi32>,
    %shift_right_logical3A_525 = arith.constant 7 : i32
    %shift_right_logical3A_526 = vector.broadcast %shift_right_logical3A_525 : i32 to vector<16xi32>
    %shift_right_logical3A_527 = arith.shrui %get3A_524, %shift_right_logical3A_526 : vector<16xi32>
    %swap3A_528 = arith.constant 0 : i32
    %swap3A_529 = arith.index_cast %swap3A_528 : i32 to index
    %swap3A_530 = arith.constant 32 : index
    %swap3A_531 = tpu.vector_load %arg12[%swap3A_529, %swap3A_530] {strides = array<i32>} : memref<2x128xi32, #tpu.memory_space<vmem>>, vector<16xi32>,
    tpu.vector_store %arg12[%swap3A_529, %swap3A_530], %shift_right_logical3A_527 {strides = array<i32>} : memref<2x128xi32, #tpu.memory_space<vmem>>, vector<16xi32>,
    %get3A_532 = arith.constant 2 : i32
    %get3A_533 = arith.index_cast %get3A_532 : i32 to index
    %get3A_534 = arith.constant 32 : index
    %get3A_535 = tpu.vector_load %arg11[%get3A_533, %get3A_534] {strides = array<i32>} : memref<4x128xi32, #tpu.memory_space<vmem>>, vector<16xi32>,
    %shift_right_logical3A_536 = arith.constant 7 : i32
    %shift_right_logical3A_537 = vector.broadcast %shift_right_logical3A_536 : i32 to vector<16xi32>
    %shift_right_logical3A_538 = arith.shrui %get3A_535, %shift_right_logical3A_537 : vector<16xi32>
    %swap3A_539 = arith.constant 1 : i32
    %swap3A_540 = arith.index_cast %swap3A_539 : i32 to index
    %swap3A_541 = arith.constant 32 : index
    %swap3A_542 = tpu.vector_load %arg12[%swap3A_540, %swap3A_541] {strides = array<i32>} : memref<2x128xi32, #tpu.memory_space<vmem>>, vector<16xi32>,
    tpu.vector_store %arg12[%swap3A_540, %swap3A_541], %shift_right_logical3A_538 {strides = array<i32>} : memref<2x128xi32, #tpu.memory_space<vmem>>, vector<16xi32>,
    %get3A_543 = arith.constant 2 : i32
    %get3A_544 = arith.index_cast %get3A_543 : i32 to index
    %get3A_545 = arith.constant 48 : index
    %get3A_546 = tpu.vector_load %arg10[%get3A_544, %get3A_545] {strides = array<i32>} : memref<4x128xi32, #tpu.memory_space<vmem>>, vector<16xi32>,
    %shift_right_logical3A_547 = arith.constant 7 : i32
    %shift_right_logical3A_548 = vector.broadcast %shift_right_logical3A_547 : i32 to vector<16xi32>
    %shift_right_logical3A_549 = arith.shrui %get3A_546, %shift_right_logical3A_548 : vector<16xi32>
    %swap3A_550 = arith.constant 0 : i32
    %swap3A_551 = arith.index_cast %swap3A_550 : i32 to index
    %swap3A_552 = arith.constant 48 : index
    %swap3A_553 = tpu.vector_load %arg12[%swap3A_551, %swap3A_552] {strides = array<i32>} : memref<2x128xi32, #tpu.memory_space<vmem>>, vector<16xi32>,
    tpu.vector_store %arg12[%swap3A_551, %swap3A_552], %shift_right_logical3A_549 {strides = array<i32>} : memref<2x128xi32, #tpu.memory_space<vmem>>, vector<16xi32>,
    %get3A_554 = arith.constant 2 : i32
    %get3A_555 = arith.index_cast %get3A_554 : i32 to index
    %get3A_556 = arith.constant 48 : index
    %get3A_557 = tpu.vector_load %arg11[%get3A_555, %get3A_556] {strides = array<i32>} : memref<4x128xi32, #tpu.memory_space<vmem>>, vector<16xi32>,
    %shift_right_logical3A_558 = arith.constant 7 : i32
    %shift_right_logical3A_559 = vector.broadcast %shift_right_logical3A_558 : i32 to vector<16xi32>
    %shift_right_logical3A_560 = arith.shrui %get3A_557, %shift_right_logical3A_559 : vector<16xi32>
    %swap3A_561 = arith.constant 1 : i32
    %swap3A_562 = arith.index_cast %swap3A_561 : i32 to index
    %swap3A_563 = arith.constant 48 : index
    %swap3A_564 = tpu.vector_load %arg12[%swap3A_562, %swap3A_563] {strides = array<i32>} : memref<2x128xi32, #tpu.memory_space<vmem>>, vector<16xi32>,
    tpu.vector_store %arg12[%swap3A_562, %swap3A_563], %shift_right_logical3A_560 {strides = array<i32>} : memref<2x128xi32, #tpu.memory_space<vmem>>, vector<16xi32>,
    %get3A_565 = arith.constant 2 : i32
    %get3A_566 = arith.index_cast %get3A_565 : i32 to index
    %get3A_567 = arith.constant 64 : index
    %get3A_568 = tpu.vector_load %arg10[%get3A_566, %get3A_567] {strides = array<i32>} : memref<4x128xi32, #tpu.memory_space<vmem>>, vector<16xi32>,
    %shift_right_logical3A_569 = arith.constant 7 : i32
    %shift_right_logical3A_570 = vector.broadcast %shift_right_logical3A_569 : i32 to vector<16xi32>
    %shift_right_logical3A_571 = arith.shrui %get3A_568, %shift_right_logical3A_570 : vector<16xi32>
    %swap3A_572 = arith.constant 0 : i32
    %swap3A_573 = arith.index_cast %swap3A_572 : i32 to index
    %swap3A_574 = arith.constant 64 : index
    %swap3A_575 = tpu.vector_load %arg12[%swap3A_573, %swap3A_574] {strides = array<i32>} : memref<2x128xi32, #tpu.memory_space<vmem>>, vector<16xi32>,
    tpu.vector_store %arg12[%swap3A_573, %swap3A_574], %shift_right_logical3A_571 {strides = array<i32>} : memref<2x128xi32, #tpu.memory_space<vmem>>, vector<16xi32>,
    %get3A_576 = arith.constant 2 : i32
    %get3A_577 = arith.index_cast %get3A_576 : i32 to index
    %get3A_578 = arith.constant 64 : index
    %get3A_579 = tpu.vector_load %arg11[%get3A_577, %get3A_578] {strides = array<i32>} : memref<4x128xi32, #tpu.memory_space<vmem>>, vector<16xi32>,
    %shift_right_logical3A_580 = arith.constant 7 : i32
    %shift_right_logical3A_581 = vector.broadcast %shift_right_logical3A_580 : i32 to vector<16xi32>
    %shift_right_logical3A_582 = arith.shrui %get3A_579, %shift_right_logical3A_581 : vector<16xi32>
    %swap3A_583 = arith.constant 1 : i32
    %swap3A_584 = arith.index_cast %swap3A_583 : i32 to index
    %swap3A_585 = arith.constant 64 : index
    %swap3A_586 = tpu.vector_load %arg12[%swap3A_584, %swap3A_585] {strides = array<i32>} : memref<2x128xi32, #tpu.memory_space<vmem>>, vector<16xi32>,
    tpu.vector_store %arg12[%swap3A_584, %swap3A_585], %shift_right_logical3A_582 {strides = array<i32>} : memref<2x128xi32, #tpu.memory_space<vmem>>, vector<16xi32>,
    %get3A_587 = arith.constant 2 : i32
    %get3A_588 = arith.index_cast %get3A_587 : i32 to index
    %get3A_589 = arith.constant 80 : index
    %get3A_590 = tpu.vector_load %arg10[%get3A_588, %get3A_589] {strides = array<i32>} : memref<4x128xi32, #tpu.memory_space<vmem>>, vector<16xi32>,
    %shift_right_logical3A_591 = arith.constant 7 : i32
    %shift_right_logical3A_592 = vector.broadcast %shift_right_logical3A_591 : i32 to vector<16xi32>
    %shift_right_logical3A_593 = arith.shrui %get3A_590, %shift_right_logical3A_592 : vector<16xi32>
    %swap3A_594 = arith.constant 0 : i32
    %swap3A_595 = arith.index_cast %swap3A_594 : i32 to index
    %swap3A_596 = arith.constant 80 : index
    %swap3A_597 = tpu.vector_load %arg12[%swap3A_595, %swap3A_596] {strides = array<i32>} : memref<2x128xi32, #tpu.memory_space<vmem>>, vector<16xi32>,
    tpu.vector_store %arg12[%swap3A_595, %swap3A_596], %shift_right_logical3A_593 {strides = array<i32>} : memref<2x128xi32, #tpu.memory_space<vmem>>, vector<16xi32>,
    %get3A_598 = arith.constant 2 : i32
    %get3A_599 = arith.index_cast %get3A_598 : i32 to index
    %get3A_600 = arith.constant 80 : index
    %get3A_601 = tpu.vector_load %arg11[%get3A_599, %get3A_600] {strides = array<i32>} : memref<4x128xi32, #tpu.memory_space<vmem>>, vector<16xi32>,
    %shift_right_logical3A_602 = arith.constant 7 : i32
    %shift_right_logical3A_603 = vector.broadcast %shift_right_logical3A_602 : i32 to vector<16xi32>
    %shift_right_logical3A_604 = arith.shrui %get3A_601, %shift_right_logical3A_603 : vector<16xi32>
    %swap3A_605 = arith.constant 1 : i32
    %swap3A_606 = arith.index_cast %swap3A_605 : i32 to index
    %swap3A_607 = arith.constant 80 : index
    %swap3A_608 = tpu.vector_load %arg12[%swap3A_606, %swap3A_607] {strides = array<i32>} : memref<2x128xi32, #tpu.memory_space<vmem>>, vector<16xi32>,
    tpu.vector_store %arg12[%swap3A_606, %swap3A_607], %shift_right_logical3A_604 {strides = array<i32>} : memref<2x128xi32, #tpu.memory_space<vmem>>, vector<16xi32>,
    %get3A_609 = arith.constant 2 : i32
    %get3A_610 = arith.index_cast %get3A_609 : i32 to index
    %get3A_611 = arith.constant 96 : index
    %get3A_612 = tpu.vector_load %arg10[%get3A_610, %get3A_611] {strides = array<i32>} : memref<4x128xi32, #tpu.memory_space<vmem>>, vector<16xi32>,
    %shift_right_logical3A_613 = arith.constant 7 : i32
    %shift_right_logical3A_614 = vector.broadcast %shift_right_logical3A_613 : i32 to vector<16xi32>
    %shift_right_logical3A_615 = arith.shrui %get3A_612, %shift_right_logical3A_614 : vector<16xi32>
    %swap3A_616 = arith.constant 0 : i32
    %swap3A_617 = arith.index_cast %swap3A_616 : i32 to index
    %swap3A_618 = arith.constant 96 : index
    %swap3A_619 = tpu.vector_load %arg12[%swap3A_617, %swap3A_618] {strides = array<i32>} : memref<2x128xi32, #tpu.memory_space<vmem>>, vector<16xi32>,
    tpu.vector_store %arg12[%swap3A_617, %swap3A_618], %shift_right_logical3A_615 {strides = array<i32>} : memref<2x128xi32, #tpu.memory_space<vmem>>, vector<16xi32>,
    %get3A_620 = arith.constant 2 : i32
    %get3A_621 = arith.index_cast %get3A_620 : i32 to index
    %get3A_622 = arith.constant 96 : index
    %get3A_623 = tpu.vector_load %arg11[%get3A_621, %get3A_622] {strides = array<i32>} : memref<4x128xi32, #tpu.memory_space<vmem>>, vector<16xi32>,
    %shift_right_logical3A_624 = arith.constant 7 : i32
    %shift_right_logical3A_625 = vector.broadcast %shift_right_logical3A_624 : i32 to vector<16xi32>
    %shift_right_logical3A_626 = arith.shrui %get3A_623, %shift_right_logical3A_625 : vector<16xi32>
    %swap3A_627 = arith.constant 1 : i32
    %swap3A_628 = arith.index_cast %swap3A_627 : i32 to index
    %swap3A_629 = arith.constant 96 : index
    %swap3A_630 = tpu.vector_load %arg12[%swap3A_628, %swap3A_629] {strides = array<i32>} : memref<2x128xi32, #tpu.memory_space<vmem>>, vector<16xi32>,
    tpu.vector_store %arg12[%swap3A_628, %swap3A_629], %shift_right_logical3A_626 {strides = array<i32>} : memref<2x128xi32, #tpu.memory_space<vmem>>, vector<16xi32>,
    %get3A_631 = arith.constant 2 : i32
    %get3A_632 = arith.index_cast %get3A_631 : i32 to index
    %get3A_633 = arith.constant 112 : index
    %get3A_634 = tpu.vector_load %arg10[%get3A_632, %get3A_633] {strides = array<i32>} : memref<4x128xi32, #tpu.memory_space<vmem>>, vector<16xi32>,
    %shift_right_logical3A_635 = arith.constant 7 : i32
    %shift_right_logical3A_636 = vector.broadcast %shift_right_logical3A_635 : i32 to vector<16xi32>
    %shift_right_logical3A_637 = arith.shrui %get3A_634, %shift_right_logical3A_636 : vector<16xi32>
    %swap3A_638 = arith.constant 0 : i32
    %swap3A_639 = arith.index_cast %swap3A_638 : i32 to index
    %swap3A_640 = arith.constant 112 : index
    %swap3A_641 = tpu.vector_load %arg12[%swap3A_639, %swap3A_640] {strides = array<i32>} : memref<2x128xi32, #tpu.memory_space<vmem>>, vector<16xi32>,
    tpu.vector_store %arg12[%swap3A_639, %swap3A_640], %shift_right_logical3A_637 {strides = array<i32>} : memref<2x128xi32, #tpu.memory_space<vmem>>, vector<16xi32>,
    %get3A_642 = arith.constant 2 : i32
    %get3A_643 = arith.index_cast %get3A_642 : i32 to index
    %get3A_644 = arith.constant 112 : index
    %get3A_645 = tpu.vector_load %arg11[%get3A_643, %get3A_644] {strides = array<i32>} : memref<4x128xi32, #tpu.memory_space<vmem>>, vector<16xi32>,
    %shift_right_logical3A_646 = arith.constant 7 : i32
    %shift_right_logical3A_647 = vector.broadcast %shift_right_logical3A_646 : i32 to vector<16xi32>
    %shift_right_logical3A_648 = arith.shrui %get3A_645, %shift_right_logical3A_647 : vector<16xi32>
    %swap3A_649 = arith.constant 1 : i32
    %swap3A_650 = arith.index_cast %swap3A_649 : i32 to index
    %swap3A_651 = arith.constant 112 : index
    %swap3A_652 = tpu.vector_load %arg12[%swap3A_650, %swap3A_651] {strides = array<i32>} : memref<2x128xi32, #tpu.memory_space<vmem>>, vector<16xi32>,
    tpu.vector_store %arg12[%swap3A_650, %swap3A_651], %shift_right_logical3A_648 {strides = array<i32>} : memref<2x128xi32, #tpu.memory_space<vmem>>, vector<16xi32>,
    %dma_start3A_653 = arith.constant 0 : i32
    %dma_start3A_654 = arith.constant 0 : i32
    %dma_start3A_655 = tpu.memref_slice %arg12[%dma_start3A_653, %dma_start3A_654] : memref<2x128xi32, #tpu.memory_space<vmem>> -> memref<1x128xi32, #tpu.memory_space<vmem>>
    %dma_start3A_656 = tpu.memref_squeeze %dma_start3A_655 : memref<1x128xi32, #tpu.memory_space<vmem>> -> memref<128xi32, #tpu.memory_space<vmem>>
    %dma_start3A_657 = arith.constant 0 : i32
    %dma_start3A_658 = arith.constant 0 : i32
    %dma_start3A_659 = tpu.memref_slice %arg4[%dma_start3A_657, %dma_start3A_658] : memref<7936x128xf32, #tpu.memory_space<hbm>> -> memref<7936x128xf32, #tpu.memory_space<hbm>>
    tpu.enqueue_indirect_dma source(%dma_start3A_659 : memref<7936x128xf32, #tpu.memory_space<hbm>>) target(%arg13 : memref<128x128xf32, #tpu.memory_space<vmem>>) offsets(%dma_start3A_656 : memref<128xi32, #tpu.memory_space<vmem>>) semaphore(%arg19 : memref<!tpu.dma_semaphore, #tpu.memory_space<semaphore_mem>>)
    %dma_start3A_660 = arith.constant 0 : i32
    %dma_start3A_661 = arith.constant 0 : i32
    %dma_start3A_662 = tpu.memref_slice %arg12[%dma_start3A_660, %dma_start3A_661] : memref<2x128xi32, #tpu.memory_space<vmem>> -> memref<1x128xi32, #tpu.memory_space<vmem>>
    %dma_start3A_663 = tpu.memref_squeeze %dma_start3A_662 : memref<1x128xi32, #tpu.memory_space<vmem>> -> memref<128xi32, #tpu.memory_space<vmem>>
    %dma_start3A_664 = arith.constant 0 : i32
    %dma_start3A_665 = arith.constant 0 : i32
    %dma_start3A_666 = tpu.memref_slice %arg5[%dma_start3A_664, %dma_start3A_665] : memref<7936x128xf32, #tpu.memory_space<hbm>> -> memref<7936x128xf32, #tpu.memory_space<hbm>>
    tpu.enqueue_indirect_dma source(%dma_start3A_666 : memref<7936x128xf32, #tpu.memory_space<hbm>>) target(%arg14 : memref<128x128xf32, #tpu.memory_space<vmem>>) offsets(%dma_start3A_663 : memref<128xi32, #tpu.memory_space<vmem>>) semaphore(%arg19 : memref<!tpu.dma_semaphore, #tpu.memory_space<semaphore_mem>>)
    %dma_start3A_667 = arith.constant 1 : i32
    %dma_start3A_668 = arith.constant 0 : i32
    %dma_start3A_669 = tpu.memref_slice %arg12[%dma_start3A_667, %dma_start3A_668] : memref<2x128xi32, #tpu.memory_space<vmem>> -> memref<1x128xi32, #tpu.memory_space<vmem>>
    %dma_start3A_670 = tpu.memref_squeeze %dma_start3A_669 : memref<1x128xi32, #tpu.memory_space<vmem>> -> memref<128xi32, #tpu.memory_space<vmem>>
    %dma_start3A_671 = arith.constant 0 : i32
    %dma_start3A_672 = arith.constant 0 : i32
    %dma_start3A_673 = tpu.memref_slice %arg6[%dma_start3A_671, %dma_start3A_672] : memref<7936x128xf32, #tpu.memory_space<hbm>> -> memref<7936x128xf32, #tpu.memory_space<hbm>>
    tpu.enqueue_indirect_dma source(%dma_start3A_673 : memref<7936x128xf32, #tpu.memory_space<hbm>>) target(%arg15 : memref<128x128xf32, #tpu.memory_space<vmem>>) offsets(%dma_start3A_670 : memref<128xi32, #tpu.memory_space<vmem>>) semaphore(%arg19 : memref<!tpu.dma_semaphore, #tpu.memory_space<semaphore_mem>>)
    %dma_start3A_674 = arith.constant 1 : i32
    %dma_start3A_675 = arith.constant 0 : i32
    %dma_start3A_676 = tpu.memref_slice %arg12[%dma_start3A_674, %dma_start3A_675] : memref<2x128xi32, #tpu.memory_space<vmem>> -> memref<1x128xi32, #tpu.memory_space<vmem>>
    %dma_start3A_677 = tpu.memref_squeeze %dma_start3A_676 : memref<1x128xi32, #tpu.memory_space<vmem>> -> memref<128xi32, #tpu.memory_space<vmem>>
    %dma_start3A_678 = arith.constant 0 : i32
    %dma_start3A_679 = arith.constant 0 : i32
    %dma_start3A_680 = tpu.memref_slice %arg7[%dma_start3A_678, %dma_start3A_679] : memref<7936x128xf32, #tpu.memory_space<hbm>> -> memref<7936x128xf32, #tpu.memory_space<hbm>>
    tpu.enqueue_indirect_dma source(%dma_start3A_680 : memref<7936x128xf32, #tpu.memory_space<hbm>>) target(%arg16 : memref<128x128xf32, #tpu.memory_space<vmem>>) offsets(%dma_start3A_677 : memref<128xi32, #tpu.memory_space<vmem>>) semaphore(%arg19 : memref<!tpu.dma_semaphore, #tpu.memory_space<semaphore_mem>>)
    %dma_wait3A_681 = arith.constant 0 : i32
    %dma_wait3A_682 = arith.constant 0 : i32
    %dma_wait3A_683 = tpu.memref_slice %arg12[%dma_wait3A_681, %dma_wait3A_682] : memref<2x128xi32, #tpu.memory_space<vmem>> -> memref<1x128xi32, #tpu.memory_space<vmem>>
    %dma_wait3A_684 = tpu.memref_squeeze %dma_wait3A_683 : memref<1x128xi32, #tpu.memory_space<vmem>> -> memref<128xi32, #tpu.memory_space<vmem>>
    %dma_wait3A_685 = arith.constant 0 : i32
    %dma_wait3A_686 = arith.constant 0 : i32
    %dma_wait3A_687 = tpu.memref_slice %arg4[%dma_wait3A_685, %dma_wait3A_686] : memref<7936x128xf32, #tpu.memory_space<hbm>> -> memref<7936x128xf32, #tpu.memory_space<hbm>>
    tpu.wait_indirect_dma semaphore(%arg19 : memref<!tpu.dma_semaphore, #tpu.memory_space<semaphore_mem>>) src(%dma_wait3A_687 : memref<7936x128xf32, #tpu.memory_space<hbm>>) dst(%arg13 : memref<128x128xf32, #tpu.memory_space<vmem>>)
    %dma_wait3A_688 = arith.constant 0 : i32
    %dma_wait3A_689 = arith.constant 0 : i32
    %dma_wait3A_690 = tpu.memref_slice %arg12[%dma_wait3A_688, %dma_wait3A_689] : memref<2x128xi32, #tpu.memory_space<vmem>> -> memref<1x128xi32, #tpu.memory_space<vmem>>
    %dma_wait3A_691 = tpu.memref_squeeze %dma_wait3A_690 : memref<1x128xi32, #tpu.memory_space<vmem>> -> memref<128xi32, #tpu.memory_space<vmem>>
    %dma_wait3A_692 = arith.constant 0 : i32
    %dma_wait3A_693 = arith.constant 0 : i32
    %dma_wait3A_694 = tpu.memref_slice %arg5[%dma_wait3A_692, %dma_wait3A_693] : memref<7936x128xf32, #tpu.memory_space<hbm>> -> memref<7936x128xf32, #tpu.memory_space<hbm>>
    tpu.wait_indirect_dma semaphore(%arg19 : memref<!tpu.dma_semaphore, #tpu.memory_space<semaphore_mem>>) src(%dma_wait3A_694 : memref<7936x128xf32, #tpu.memory_space<hbm>>) dst(%arg14 : memref<128x128xf32, #tpu.memory_space<vmem>>)
    %dma_wait3A_695 = arith.constant 1 : i32
    %dma_wait3A_696 = arith.constant 0 : i32
    %dma_wait3A_697 = tpu.memref_slice %arg12[%dma_wait3A_695, %dma_wait3A_696] : memref<2x128xi32, #tpu.memory_space<vmem>> -> memref<1x128xi32, #tpu.memory_space<vmem>>
    %dma_wait3A_698 = tpu.memref_squeeze %dma_wait3A_697 : memref<1x128xi32, #tpu.memory_space<vmem>> -> memref<128xi32, #tpu.memory_space<vmem>>
    %dma_wait3A_699 = arith.constant 0 : i32
    %dma_wait3A_700 = arith.constant 0 : i32
    %dma_wait3A_701 = tpu.memref_slice %arg6[%dma_wait3A_699, %dma_wait3A_700] : memref<7936x128xf32, #tpu.memory_space<hbm>> -> memref<7936x128xf32, #tpu.memory_space<hbm>>
    tpu.wait_indirect_dma semaphore(%arg19 : memref<!tpu.dma_semaphore, #tpu.memory_space<semaphore_mem>>) src(%dma_wait3A_701 : memref<7936x128xf32, #tpu.memory_space<hbm>>) dst(%arg15 : memref<128x128xf32, #tpu.memory_space<vmem>>)
    %dma_wait3A_702 = arith.constant 1 : i32
    %dma_wait3A_703 = arith.constant 0 : i32
    %dma_wait3A_704 = tpu.memref_slice %arg12[%dma_wait3A_702, %dma_wait3A_703] : memref<2x128xi32, #tpu.memory_space<vmem>> -> memref<1x128xi32, #tpu.memory_space<vmem>>
    %dma_wait3A_705 = tpu.memref_squeeze %dma_wait3A_704 : memref<1x128xi32, #tpu.memory_space<vmem>> -> memref<128xi32, #tpu.memory_space<vmem>>
    %dma_wait3A_706 = arith.constant 0 : i32
    %dma_wait3A_707 = arith.constant 0 : i32
    %dma_wait3A_708 = tpu.memref_slice %arg7[%dma_wait3A_706, %dma_wait3A_707] : memref<7936x128xf32, #tpu.memory_space<hbm>> -> memref<7936x128xf32, #tpu.memory_space<hbm>>
    tpu.wait_indirect_dma semaphore(%arg19 : memref<!tpu.dma_semaphore, #tpu.memory_space<semaphore_mem>>) src(%dma_wait3A_708 : memref<7936x128xf32, #tpu.memory_space<hbm>>) dst(%arg16 : memref<128x128xf32, #tpu.memory_space<vmem>>)
    %scan3A_709 = arith.constant 0 : i32
    %scan3A_710 = arith.constant 0 : i32
    %scan3A_711 = arith.constant 8 : i32
    %scan3A_712 = arith.addi %scan3A_710, %scan3A_711 : i32
    %scan3A_713 = arith.constant 1 : i32
    scf.for %scan3A_953 = %scan3A_710 to %scan3A_712 step %scan3A_713  : i32 {
      %mul3A_954 = arith.constant 16 : i32
      %mul3A_955 = arith.muli %scan3A_953, %mul3A_954 : i32
      %add3A_956 = vector.broadcast %mul3A_955 : i32 to vector<16xi32>
      %add3A_957 = arith.addi %add3A_956, %iota3A : vector<16xi32>
      %mul3A_958 = arith.constant 16 : i32
      %mul3A_959 = arith.muli %scan3A_953, %mul3A_958 : i32
      %get3A_960 = arith.constant 2 : i32
      %get3A_961 = arith.index_cast %get3A_960 : i32 to index
      %get3A_962 = arith.index_cast %mul3A_959 : i32 to index
      %get3A_963 = tpu.vector_load %arg10[%get3A_961, %get3A_962] {strides = array<i32>} : memref<4x128xi32, #tpu.memory_space<vmem>>, vector<16xi32>,
      %and3A = arith.constant 127 : i32
      %and3A_964 = vector.broadcast %and3A : i32 to vector<16xi32>
      %and3A_965 = arith.andi %get3A_963, %and3A_964 : vector<16xi32>
      %mul3A_966 = arith.constant 16 : i32
      %mul3A_967 = arith.muli %scan3A_953, %mul3A_966 : i32
      %get3A_968 = arith.constant 2 : i32
      %get3A_969 = arith.index_cast %get3A_968 : i32 to index
      %get3A_970 = arith.index_cast %mul3A_967 : i32 to index
      %get3A_971 = tpu.vector_load %arg11[%get3A_969, %get3A_970] {strides = array<i32>} : memref<4x128xi32, #tpu.memory_space<vmem>>, vector<16xi32>,
      %and3A_972 = arith.constant 127 : i32
      %and3A_973 = vector.broadcast %and3A_972 : i32 to vector<16xi32>
      %and3A_974 = arith.andi %get3A_971, %and3A_973 : vector<16xi32>
      %gather3A = tpu.vector_load_idx %arg13[%add3A_957, %and3A_965] : memref<128x128xf32, #tpu.memory_space<vmem>>[vector<16xi32>, vector<16xi32>], vector<16xf32>,
      %gather3A_975 = tpu.vector_load_idx %arg15[%add3A_957, %and3A_974] : memref<128x128xf32, #tpu.memory_space<vmem>>[vector<16xi32>, vector<16xi32>], vector<16xf32>,
      %add3A_976 = arith.addf %gather3A, %gather3A_975 : vector<16xf32>
      %gather3A_977 = tpu.vector_load_idx %arg14[%add3A_957, %and3A_965] : memref<128x128xf32, #tpu.memory_space<vmem>>[vector<16xi32>, vector<16xi32>], vector<16xf32>,
      %gather3A_978 = tpu.vector_load_idx %arg16[%add3A_957, %and3A_974] : memref<128x128xf32, #tpu.memory_space<vmem>>[vector<16xi32>, vector<16xi32>], vector<16xf32>,
      %add3A_979 = arith.addf %gather3A_977, %gather3A_978 : vector<16xf32>
      %add3A_980 = arith.constant 16 : i32
      %add3A_981 = arith.addi %add3A_980, %scan3A_953 : i32
      %mul3A_982 = arith.constant 16 : i32
      %mul3A_983 = arith.muli %add3A_981, %mul3A_982 : i32
      %swap3A_984 = arith.index_cast %mul3A_983 : i32 to index
      %swap3A_985 = tpu.vector_load %arg17[%swap3A_984] {strides = array<i32>} : memref<512xf32, #tpu.memory_space<vmem>>, vector<16xf32>,
      tpu.vector_store %arg17[%swap3A_984], %add3A_976 {strides = array<i32>} : memref<512xf32, #tpu.memory_space<vmem>>, vector<16xf32>,
      %swap3A_986 = arith.index_cast %mul3A_983 : i32 to index
      %swap3A_987 = tpu.vector_load %arg18[%swap3A_986] {strides = array<i32>} : memref<512xf32, #tpu.memory_space<vmem>>, vector<16xf32>,
      tpu.vector_store %arg18[%swap3A_986], %add3A_979 {strides = array<i32>} : memref<512xf32, #tpu.memory_space<vmem>>, vector<16xf32>,
    }
    %scan3A_714 = arith.constant 8 : i32
    %get3A_715 = arith.constant 3 : i32
    %get3A_716 = arith.index_cast %get3A_715 : i32 to index
    %get3A_717 = arith.constant 0 : index
    %get3A_718 = tpu.vector_load %arg10[%get3A_716, %get3A_717] {strides = array<i32>} : memref<4x128xi32, #tpu.memory_space<vmem>>, vector<16xi32>,
    %shift_right_logical3A_719 = arith.constant 7 : i32
    %shift_right_logical3A_720 = vector.broadcast %shift_right_logical3A_719 : i32 to vector<16xi32>
    %shift_right_logical3A_721 = arith.shrui %get3A_718, %shift_right_logical3A_720 : vector<16xi32>
    %swap3A_722 = arith.constant 0 : i32
    %swap3A_723 = arith.index_cast %swap3A_722 : i32 to index
    %swap3A_724 = arith.constant 0 : index
    %swap3A_725 = tpu.vector_load %arg12[%swap3A_723, %swap3A_724] {strides = array<i32>} : memref<2x128xi32, #tpu.memory_space<vmem>>, vector<16xi32>,
    tpu.vector_store %arg12[%swap3A_723, %swap3A_724], %shift_right_logical3A_721 {strides = array<i32>} : memref<2x128xi32, #tpu.memory_space<vmem>>, vector<16xi32>,
    %get3A_726 = arith.constant 3 : i32
    %get3A_727 = arith.index_cast %get3A_726 : i32 to index
    %get3A_728 = arith.constant 0 : index
    %get3A_729 = tpu.vector_load %arg11[%get3A_727, %get3A_728] {strides = array<i32>} : memref<4x128xi32, #tpu.memory_space<vmem>>, vector<16xi32>,
    %shift_right_logical3A_730 = arith.constant 7 : i32
    %shift_right_logical3A_731 = vector.broadcast %shift_right_logical3A_730 : i32 to vector<16xi32>
    %shift_right_logical3A_732 = arith.shrui %get3A_729, %shift_right_logical3A_731 : vector<16xi32>
    %swap3A_733 = arith.constant 1 : i32
    %swap3A_734 = arith.index_cast %swap3A_733 : i32 to index
    %swap3A_735 = arith.constant 0 : index
    %swap3A_736 = tpu.vector_load %arg12[%swap3A_734, %swap3A_735] {strides = array<i32>} : memref<2x128xi32, #tpu.memory_space<vmem>>, vector<16xi32>,
    tpu.vector_store %arg12[%swap3A_734, %swap3A_735], %shift_right_logical3A_732 {strides = array<i32>} : memref<2x128xi32, #tpu.memory_space<vmem>>, vector<16xi32>,
    %get3A_737 = arith.constant 3 : i32
    %get3A_738 = arith.index_cast %get3A_737 : i32 to index
    %get3A_739 = arith.constant 16 : index
    %get3A_740 = tpu.vector_load %arg10[%get3A_738, %get3A_739] {strides = array<i32>} : memref<4x128xi32, #tpu.memory_space<vmem>>, vector<16xi32>,
    %shift_right_logical3A_741 = arith.constant 7 : i32
    %shift_right_logical3A_742 = vector.broadcast %shift_right_logical3A_741 : i32 to vector<16xi32>
    %shift_right_logical3A_743 = arith.shrui %get3A_740, %shift_right_logical3A_742 : vector<16xi32>
    %swap3A_744 = arith.constant 0 : i32
    %swap3A_745 = arith.index_cast %swap3A_744 : i32 to index
    %swap3A_746 = arith.constant 16 : index
    %swap3A_747 = tpu.vector_load %arg12[%swap3A_745, %swap3A_746] {strides = array<i32>} : memref<2x128xi32, #tpu.memory_space<vmem>>, vector<16xi32>,
    tpu.vector_store %arg12[%swap3A_745, %swap3A_746], %shift_right_logical3A_743 {strides = array<i32>} : memref<2x128xi32, #tpu.memory_space<vmem>>, vector<16xi32>,
    %get3A_748 = arith.constant 3 : i32
    %get3A_749 = arith.index_cast %get3A_748 : i32 to index
    %get3A_750 = arith.constant 16 : index
    %get3A_751 = tpu.vector_load %arg11[%get3A_749, %get3A_750] {strides = array<i32>} : memref<4x128xi32, #tpu.memory_space<vmem>>, vector<16xi32>,
    %shift_right_logical3A_752 = arith.constant 7 : i32
    %shift_right_logical3A_753 = vector.broadcast %shift_right_logical3A_752 : i32 to vector<16xi32>
    %shift_right_logical3A_754 = arith.shrui %get3A_751, %shift_right_logical3A_753 : vector<16xi32>
    %swap3A_755 = arith.constant 1 : i32
    %swap3A_756 = arith.index_cast %swap3A_755 : i32 to index
    %swap3A_757 = arith.constant 16 : index
    %swap3A_758 = tpu.vector_load %arg12[%swap3A_756, %swap3A_757] {strides = array<i32>} : memref<2x128xi32, #tpu.memory_space<vmem>>, vector<16xi32>,
    tpu.vector_store %arg12[%swap3A_756, %swap3A_757], %shift_right_logical3A_754 {strides = array<i32>} : memref<2x128xi32, #tpu.memory_space<vmem>>, vector<16xi32>,
    %get3A_759 = arith.constant 3 : i32
    %get3A_760 = arith.index_cast %get3A_759 : i32 to index
    %get3A_761 = arith.constant 32 : index
    %get3A_762 = tpu.vector_load %arg10[%get3A_760, %get3A_761] {strides = array<i32>} : memref<4x128xi32, #tpu.memory_space<vmem>>, vector<16xi32>,
    %shift_right_logical3A_763 = arith.constant 7 : i32
    %shift_right_logical3A_764 = vector.broadcast %shift_right_logical3A_763 : i32 to vector<16xi32>
    %shift_right_logical3A_765 = arith.shrui %get3A_762, %shift_right_logical3A_764 : vector<16xi32>
    %swap3A_766 = arith.constant 0 : i32
    %swap3A_767 = arith.index_cast %swap3A_766 : i32 to index
    %swap3A_768 = arith.constant 32 : index
    %swap3A_769 = tpu.vector_load %arg12[%swap3A_767, %swap3A_768] {strides = array<i32>} : memref<2x128xi32, #tpu.memory_space<vmem>>, vector<16xi32>,
    tpu.vector_store %arg12[%swap3A_767, %swap3A_768], %shift_right_logical3A_765 {strides = array<i32>} : memref<2x128xi32, #tpu.memory_space<vmem>>, vector<16xi32>,
    %get3A_770 = arith.constant 3 : i32
    %get3A_771 = arith.index_cast %get3A_770 : i32 to index
    %get3A_772 = arith.constant 32 : index
    %get3A_773 = tpu.vector_load %arg11[%get3A_771, %get3A_772] {strides = array<i32>} : memref<4x128xi32, #tpu.memory_space<vmem>>, vector<16xi32>,
    %shift_right_logical3A_774 = arith.constant 7 : i32
    %shift_right_logical3A_775 = vector.broadcast %shift_right_logical3A_774 : i32 to vector<16xi32>
    %shift_right_logical3A_776 = arith.shrui %get3A_773, %shift_right_logical3A_775 : vector<16xi32>
    %swap3A_777 = arith.constant 1 : i32
    %swap3A_778 = arith.index_cast %swap3A_777 : i32 to index
    %swap3A_779 = arith.constant 32 : index
    %swap3A_780 = tpu.vector_load %arg12[%swap3A_778, %swap3A_779] {strides = array<i32>} : memref<2x128xi32, #tpu.memory_space<vmem>>, vector<16xi32>,
    tpu.vector_store %arg12[%swap3A_778, %swap3A_779], %shift_right_logical3A_776 {strides = array<i32>} : memref<2x128xi32, #tpu.memory_space<vmem>>, vector<16xi32>,
    %get3A_781 = arith.constant 3 : i32
    %get3A_782 = arith.index_cast %get3A_781 : i32 to index
    %get3A_783 = arith.constant 48 : index
    %get3A_784 = tpu.vector_load %arg10[%get3A_782, %get3A_783] {strides = array<i32>} : memref<4x128xi32, #tpu.memory_space<vmem>>, vector<16xi32>,
    %shift_right_logical3A_785 = arith.constant 7 : i32
    %shift_right_logical3A_786 = vector.broadcast %shift_right_logical3A_785 : i32 to vector<16xi32>
    %shift_right_logical3A_787 = arith.shrui %get3A_784, %shift_right_logical3A_786 : vector<16xi32>
    %swap3A_788 = arith.constant 0 : i32
    %swap3A_789 = arith.index_cast %swap3A_788 : i32 to index
    %swap3A_790 = arith.constant 48 : index
    %swap3A_791 = tpu.vector_load %arg12[%swap3A_789, %swap3A_790] {strides = array<i32>} : memref<2x128xi32, #tpu.memory_space<vmem>>, vector<16xi32>,
    tpu.vector_store %arg12[%swap3A_789, %swap3A_790], %shift_right_logical3A_787 {strides = array<i32>} : memref<2x128xi32, #tpu.memory_space<vmem>>, vector<16xi32>,
    %get3A_792 = arith.constant 3 : i32
    %get3A_793 = arith.index_cast %get3A_792 : i32 to index
    %get3A_794 = arith.constant 48 : index
    %get3A_795 = tpu.vector_load %arg11[%get3A_793, %get3A_794] {strides = array<i32>} : memref<4x128xi32, #tpu.memory_space<vmem>>, vector<16xi32>,
    %shift_right_logical3A_796 = arith.constant 7 : i32
    %shift_right_logical3A_797 = vector.broadcast %shift_right_logical3A_796 : i32 to vector<16xi32>
    %shift_right_logical3A_798 = arith.shrui %get3A_795, %shift_right_logical3A_797 : vector<16xi32>
    %swap3A_799 = arith.constant 1 : i32
    %swap3A_800 = arith.index_cast %swap3A_799 : i32 to index
    %swap3A_801 = arith.constant 48 : index
    %swap3A_802 = tpu.vector_load %arg12[%swap3A_800, %swap3A_801] {strides = array<i32>} : memref<2x128xi32, #tpu.memory_space<vmem>>, vector<16xi32>,
    tpu.vector_store %arg12[%swap3A_800, %swap3A_801], %shift_right_logical3A_798 {strides = array<i32>} : memref<2x128xi32, #tpu.memory_space<vmem>>, vector<16xi32>,
    %get3A_803 = arith.constant 3 : i32
    %get3A_804 = arith.index_cast %get3A_803 : i32 to index
    %get3A_805 = arith.constant 64 : index
    %get3A_806 = tpu.vector_load %arg10[%get3A_804, %get3A_805] {strides = array<i32>} : memref<4x128xi32, #tpu.memory_space<vmem>>, vector<16xi32>,
    %shift_right_logical3A_807 = arith.constant 7 : i32
    %shift_right_logical3A_808 = vector.broadcast %shift_right_logical3A_807 : i32 to vector<16xi32>
    %shift_right_logical3A_809 = arith.shrui %get3A_806, %shift_right_logical3A_808 : vector<16xi32>
    %swap3A_810 = arith.constant 0 : i32
    %swap3A_811 = arith.index_cast %swap3A_810 : i32 to index
    %swap3A_812 = arith.constant 64 : index
    %swap3A_813 = tpu.vector_load %arg12[%swap3A_811, %swap3A_812] {strides = array<i32>} : memref<2x128xi32, #tpu.memory_space<vmem>>, vector<16xi32>,
    tpu.vector_store %arg12[%swap3A_811, %swap3A_812], %shift_right_logical3A_809 {strides = array<i32>} : memref<2x128xi32, #tpu.memory_space<vmem>>, vector<16xi32>,
    %get3A_814 = arith.constant 3 : i32
    %get3A_815 = arith.index_cast %get3A_814 : i32 to index
    %get3A_816 = arith.constant 64 : index
    %get3A_817 = tpu.vector_load %arg11[%get3A_815, %get3A_816] {strides = array<i32>} : memref<4x128xi32, #tpu.memory_space<vmem>>, vector<16xi32>,
    %shift_right_logical3A_818 = arith.constant 7 : i32
    %shift_right_logical3A_819 = vector.broadcast %shift_right_logical3A_818 : i32 to vector<16xi32>
    %shift_right_logical3A_820 = arith.shrui %get3A_817, %shift_right_logical3A_819 : vector<16xi32>
    %swap3A_821 = arith.constant 1 : i32
    %swap3A_822 = arith.index_cast %swap3A_821 : i32 to index
    %swap3A_823 = arith.constant 64 : index
    %swap3A_824 = tpu.vector_load %arg12[%swap3A_822, %swap3A_823] {strides = array<i32>} : memref<2x128xi32, #tpu.memory_space<vmem>>, vector<16xi32>,
    tpu.vector_store %arg12[%swap3A_822, %swap3A_823], %shift_right_logical3A_820 {strides = array<i32>} : memref<2x128xi32, #tpu.memory_space<vmem>>, vector<16xi32>,
    %get3A_825 = arith.constant 3 : i32
    %get3A_826 = arith.index_cast %get3A_825 : i32 to index
    %get3A_827 = arith.constant 80 : index
    %get3A_828 = tpu.vector_load %arg10[%get3A_826, %get3A_827] {strides = array<i32>} : memref<4x128xi32, #tpu.memory_space<vmem>>, vector<16xi32>,
    %shift_right_logical3A_829 = arith.constant 7 : i32
    %shift_right_logical3A_830 = vector.broadcast %shift_right_logical3A_829 : i32 to vector<16xi32>
    %shift_right_logical3A_831 = arith.shrui %get3A_828, %shift_right_logical3A_830 : vector<16xi32>
    %swap3A_832 = arith.constant 0 : i32
    %swap3A_833 = arith.index_cast %swap3A_832 : i32 to index
    %swap3A_834 = arith.constant 80 : index
    %swap3A_835 = tpu.vector_load %arg12[%swap3A_833, %swap3A_834] {strides = array<i32>} : memref<2x128xi32, #tpu.memory_space<vmem>>, vector<16xi32>,
    tpu.vector_store %arg12[%swap3A_833, %swap3A_834], %shift_right_logical3A_831 {strides = array<i32>} : memref<2x128xi32, #tpu.memory_space<vmem>>, vector<16xi32>,
    %get3A_836 = arith.constant 3 : i32
    %get3A_837 = arith.index_cast %get3A_836 : i32 to index
    %get3A_838 = arith.constant 80 : index
    %get3A_839 = tpu.vector_load %arg11[%get3A_837, %get3A_838] {strides = array<i32>} : memref<4x128xi32, #tpu.memory_space<vmem>>, vector<16xi32>,
    %shift_right_logical3A_840 = arith.constant 7 : i32
    %shift_right_logical3A_841 = vector.broadcast %shift_right_logical3A_840 : i32 to vector<16xi32>
    %shift_right_logical3A_842 = arith.shrui %get3A_839, %shift_right_logical3A_841 : vector<16xi32>
    %swap3A_843 = arith.constant 1 : i32
    %swap3A_844 = arith.index_cast %swap3A_843 : i32 to index
    %swap3A_845 = arith.constant 80 : index
    %swap3A_846 = tpu.vector_load %arg12[%swap3A_844, %swap3A_845] {strides = array<i32>} : memref<2x128xi32, #tpu.memory_space<vmem>>, vector<16xi32>,
    tpu.vector_store %arg12[%swap3A_844, %swap3A_845], %shift_right_logical3A_842 {strides = array<i32>} : memref<2x128xi32, #tpu.memory_space<vmem>>, vector<16xi32>,
    %get3A_847 = arith.constant 3 : i32
    %get3A_848 = arith.index_cast %get3A_847 : i32 to index
    %get3A_849 = arith.constant 96 : index
    %get3A_850 = tpu.vector_load %arg10[%get3A_848, %get3A_849] {strides = array<i32>} : memref<4x128xi32, #tpu.memory_space<vmem>>, vector<16xi32>,
    %shift_right_logical3A_851 = arith.constant 7 : i32
    %shift_right_logical3A_852 = vector.broadcast %shift_right_logical3A_851 : i32 to vector<16xi32>
    %shift_right_logical3A_853 = arith.shrui %get3A_850, %shift_right_logical3A_852 : vector<16xi32>
    %swap3A_854 = arith.constant 0 : i32
    %swap3A_855 = arith.index_cast %swap3A_854 : i32 to index
    %swap3A_856 = arith.constant 96 : index
    %swap3A_857 = tpu.vector_load %arg12[%swap3A_855, %swap3A_856] {strides = array<i32>} : memref<2x128xi32, #tpu.memory_space<vmem>>, vector<16xi32>,
    tpu.vector_store %arg12[%swap3A_855, %swap3A_856], %shift_right_logical3A_853 {strides = array<i32>} : memref<2x128xi32, #tpu.memory_space<vmem>>, vector<16xi32>,
    %get3A_858 = arith.constant 3 : i32
    %get3A_859 = arith.index_cast %get3A_858 : i32 to index
    %get3A_860 = arith.constant 96 : index
    %get3A_861 = tpu.vector_load %arg11[%get3A_859, %get3A_860] {strides = array<i32>} : memref<4x128xi32, #tpu.memory_space<vmem>>, vector<16xi32>,
    %shift_right_logical3A_862 = arith.constant 7 : i32
    %shift_right_logical3A_863 = vector.broadcast %shift_right_logical3A_862 : i32 to vector<16xi32>
    %shift_right_logical3A_864 = arith.shrui %get3A_861, %shift_right_logical3A_863 : vector<16xi32>
    %swap3A_865 = arith.constant 1 : i32
    %swap3A_866 = arith.index_cast %swap3A_865 : i32 to index
    %swap3A_867 = arith.constant 96 : index
    %swap3A_868 = tpu.vector_load %arg12[%swap3A_866, %swap3A_867] {strides = array<i32>} : memref<2x128xi32, #tpu.memory_space<vmem>>, vector<16xi32>,
    tpu.vector_store %arg12[%swap3A_866, %swap3A_867], %shift_right_logical3A_864 {strides = array<i32>} : memref<2x128xi32, #tpu.memory_space<vmem>>, vector<16xi32>,
    %get3A_869 = arith.constant 3 : i32
    %get3A_870 = arith.index_cast %get3A_869 : i32 to index
    %get3A_871 = arith.constant 112 : index
    %get3A_872 = tpu.vector_load %arg10[%get3A_870, %get3A_871] {strides = array<i32>} : memref<4x128xi32, #tpu.memory_space<vmem>>, vector<16xi32>,
    %shift_right_logical3A_873 = arith.constant 7 : i32
    %shift_right_logical3A_874 = vector.broadcast %shift_right_logical3A_873 : i32 to vector<16xi32>
    %shift_right_logical3A_875 = arith.shrui %get3A_872, %shift_right_logical3A_874 : vector<16xi32>
    %swap3A_876 = arith.constant 0 : i32
    %swap3A_877 = arith.index_cast %swap3A_876 : i32 to index
    %swap3A_878 = arith.constant 112 : index
    %swap3A_879 = tpu.vector_load %arg12[%swap3A_877, %swap3A_878] {strides = array<i32>} : memref<2x128xi32, #tpu.memory_space<vmem>>, vector<16xi32>,
    tpu.vector_store %arg12[%swap3A_877, %swap3A_878], %shift_right_logical3A_875 {strides = array<i32>} : memref<2x128xi32, #tpu.memory_space<vmem>>, vector<16xi32>,
    %get3A_880 = arith.constant 3 : i32
    %get3A_881 = arith.index_cast %get3A_880 : i32 to index
    %get3A_882 = arith.constant 112 : index
    %get3A_883 = tpu.vector_load %arg11[%get3A_881, %get3A_882] {strides = array<i32>} : memref<4x128xi32, #tpu.memory_space<vmem>>, vector<16xi32>,
    %shift_right_logical3A_884 = arith.constant 7 : i32
    %shift_right_logical3A_885 = vector.broadcast %shift_right_logical3A_884 : i32 to vector<16xi32>
    %shift_right_logical3A_886 = arith.shrui %get3A_883, %shift_right_logical3A_885 : vector<16xi32>
    %swap3A_887 = arith.constant 1 : i32
    %swap3A_888 = arith.index_cast %swap3A_887 : i32 to index
    %swap3A_889 = arith.constant 112 : index
    %swap3A_890 = tpu.vector_load %arg12[%swap3A_888, %swap3A_889] {strides = array<i32>} : memref<2x128xi32, #tpu.memory_space<vmem>>, vector<16xi32>,
    tpu.vector_store %arg12[%swap3A_888, %swap3A_889], %shift_right_logical3A_886 {strides = array<i32>} : memref<2x128xi32, #tpu.memory_space<vmem>>, vector<16xi32>,
    %dma_start3A_891 = arith.constant 0 : i32
    %dma_start3A_892 = arith.constant 0 : i32
    %dma_start3A_893 = tpu.memref_slice %arg12[%dma_start3A_891, %dma_start3A_892] : memref<2x128xi32, #tpu.memory_space<vmem>> -> memref<1x128xi32, #tpu.memory_space<vmem>>
    %dma_start3A_894 = tpu.memref_squeeze %dma_start3A_893 : memref<1x128xi32, #tpu.memory_space<vmem>> -> memref<128xi32, #tpu.memory_space<vmem>>
    %dma_start3A_895 = arith.constant 0 : i32
    %dma_start3A_896 = arith.constant 0 : i32
    %dma_start3A_897 = tpu.memref_slice %arg4[%dma_start3A_895, %dma_start3A_896] : memref<7936x128xf32, #tpu.memory_space<hbm>> -> memref<7936x128xf32, #tpu.memory_space<hbm>>
    tpu.enqueue_indirect_dma source(%dma_start3A_897 : memref<7936x128xf32, #tpu.memory_space<hbm>>) target(%arg13 : memref<128x128xf32, #tpu.memory_space<vmem>>) offsets(%dma_start3A_894 : memref<128xi32, #tpu.memory_space<vmem>>) semaphore(%arg19 : memref<!tpu.dma_semaphore, #tpu.memory_space<semaphore_mem>>)
    %dma_start3A_898 = arith.constant 0 : i32
    %dma_start3A_899 = arith.constant 0 : i32
    %dma_start3A_900 = tpu.memref_slice %arg12[%dma_start3A_898, %dma_start3A_899] : memref<2x128xi32, #tpu.memory_space<vmem>> -> memref<1x128xi32, #tpu.memory_space<vmem>>
    %dma_start3A_901 = tpu.memref_squeeze %dma_start3A_900 : memref<1x128xi32, #tpu.memory_space<vmem>> -> memref<128xi32, #tpu.memory_space<vmem>>
    %dma_start3A_902 = arith.constant 0 : i32
    %dma_start3A_903 = arith.constant 0 : i32
    %dma_start3A_904 = tpu.memref_slice %arg5[%dma_start3A_902, %dma_start3A_903] : memref<7936x128xf32, #tpu.memory_space<hbm>> -> memref<7936x128xf32, #tpu.memory_space<hbm>>
    tpu.enqueue_indirect_dma source(%dma_start3A_904 : memref<7936x128xf32, #tpu.memory_space<hbm>>) target(%arg14 : memref<128x128xf32, #tpu.memory_space<vmem>>) offsets(%dma_start3A_901 : memref<128xi32, #tpu.memory_space<vmem>>) semaphore(%arg19 : memref<!tpu.dma_semaphore, #tpu.memory_space<semaphore_mem>>)
    %dma_start3A_905 = arith.constant 1 : i32
    %dma_start3A_906 = arith.constant 0 : i32
    %dma_start3A_907 = tpu.memref_slice %arg12[%dma_start3A_905, %dma_start3A_906] : memref<2x128xi32, #tpu.memory_space<vmem>> -> memref<1x128xi32, #tpu.memory_space<vmem>>
    %dma_start3A_908 = tpu.memref_squeeze %dma_start3A_907 : memref<1x128xi32, #tpu.memory_space<vmem>> -> memref<128xi32, #tpu.memory_space<vmem>>
    %dma_start3A_909 = arith.constant 0 : i32
    %dma_start3A_910 = arith.constant 0 : i32
    %dma_start3A_911 = tpu.memref_slice %arg6[%dma_start3A_909, %dma_start3A_910] : memref<7936x128xf32, #tpu.memory_space<hbm>> -> memref<7936x128xf32, #tpu.memory_space<hbm>>
    tpu.enqueue_indirect_dma source(%dma_start3A_911 : memref<7936x128xf32, #tpu.memory_space<hbm>>) target(%arg15 : memref<128x128xf32, #tpu.memory_space<vmem>>) offsets(%dma_start3A_908 : memref<128xi32, #tpu.memory_space<vmem>>) semaphore(%arg19 : memref<!tpu.dma_semaphore, #tpu.memory_space<semaphore_mem>>)
    %dma_start3A_912 = arith.constant 1 : i32
    %dma_start3A_913 = arith.constant 0 : i32
    %dma_start3A_914 = tpu.memref_slice %arg12[%dma_start3A_912, %dma_start3A_913] : memref<2x128xi32, #tpu.memory_space<vmem>> -> memref<1x128xi32, #tpu.memory_space<vmem>>
    %dma_start3A_915 = tpu.memref_squeeze %dma_start3A_914 : memref<1x128xi32, #tpu.memory_space<vmem>> -> memref<128xi32, #tpu.memory_space<vmem>>
    %dma_start3A_916 = arith.constant 0 : i32
    %dma_start3A_917 = arith.constant 0 : i32
    %dma_start3A_918 = tpu.memref_slice %arg7[%dma_start3A_916, %dma_start3A_917] : memref<7936x128xf32, #tpu.memory_space<hbm>> -> memref<7936x128xf32, #tpu.memory_space<hbm>>
    tpu.enqueue_indirect_dma source(%dma_start3A_918 : memref<7936x128xf32, #tpu.memory_space<hbm>>) target(%arg16 : memref<128x128xf32, #tpu.memory_space<vmem>>) offsets(%dma_start3A_915 : memref<128xi32, #tpu.memory_space<vmem>>) semaphore(%arg19 : memref<!tpu.dma_semaphore, #tpu.memory_space<semaphore_mem>>)
    %dma_wait3A_919 = arith.constant 0 : i32
    %dma_wait3A_920 = arith.constant 0 : i32
    %dma_wait3A_921 = tpu.memref_slice %arg12[%dma_wait3A_919, %dma_wait3A_920] : memref<2x128xi32, #tpu.memory_space<vmem>> -> memref<1x128xi32, #tpu.memory_space<vmem>>
    %dma_wait3A_922 = tpu.memref_squeeze %dma_wait3A_921 : memref<1x128xi32, #tpu.memory_space<vmem>> -> memref<128xi32, #tpu.memory_space<vmem>>
    %dma_wait3A_923 = arith.constant 0 : i32
    %dma_wait3A_924 = arith.constant 0 : i32
    %dma_wait3A_925 = tpu.memref_slice %arg4[%dma_wait3A_923, %dma_wait3A_924] : memref<7936x128xf32, #tpu.memory_space<hbm>> -> memref<7936x128xf32, #tpu.memory_space<hbm>>
    tpu.wait_indirect_dma semaphore(%arg19 : memref<!tpu.dma_semaphore, #tpu.memory_space<semaphore_mem>>) src(%dma_wait3A_925 : memref<7936x128xf32, #tpu.memory_space<hbm>>) dst(%arg13 : memref<128x128xf32, #tpu.memory_space<vmem>>)
    %dma_wait3A_926 = arith.constant 0 : i32
    %dma_wait3A_927 = arith.constant 0 : i32
    %dma_wait3A_928 = tpu.memref_slice %arg12[%dma_wait3A_926, %dma_wait3A_927] : memref<2x128xi32, #tpu.memory_space<vmem>> -> memref<1x128xi32, #tpu.memory_space<vmem>>
    %dma_wait3A_929 = tpu.memref_squeeze %dma_wait3A_928 : memref<1x128xi32, #tpu.memory_space<vmem>> -> memref<128xi32, #tpu.memory_space<vmem>>
    %dma_wait3A_930 = arith.constant 0 : i32
    %dma_wait3A_931 = arith.constant 0 : i32
    %dma_wait3A_932 = tpu.memref_slice %arg5[%dma_wait3A_930, %dma_wait3A_931] : memref<7936x128xf32, #tpu.memory_space<hbm>> -> memref<7936x128xf32, #tpu.memory_space<hbm>>
    tpu.wait_indirect_dma semaphore(%arg19 : memref<!tpu.dma_semaphore, #tpu.memory_space<semaphore_mem>>) src(%dma_wait3A_932 : memref<7936x128xf32, #tpu.memory_space<hbm>>) dst(%arg14 : memref<128x128xf32, #tpu.memory_space<vmem>>)
    %dma_wait3A_933 = arith.constant 1 : i32
    %dma_wait3A_934 = arith.constant 0 : i32
    %dma_wait3A_935 = tpu.memref_slice %arg12[%dma_wait3A_933, %dma_wait3A_934] : memref<2x128xi32, #tpu.memory_space<vmem>> -> memref<1x128xi32, #tpu.memory_space<vmem>>
    %dma_wait3A_936 = tpu.memref_squeeze %dma_wait3A_935 : memref<1x128xi32, #tpu.memory_space<vmem>> -> memref<128xi32, #tpu.memory_space<vmem>>
    %dma_wait3A_937 = arith.constant 0 : i32
    %dma_wait3A_938 = arith.constant 0 : i32
    %dma_wait3A_939 = tpu.memref_slice %arg6[%dma_wait3A_937, %dma_wait3A_938] : memref<7936x128xf32, #tpu.memory_space<hbm>> -> memref<7936x128xf32, #tpu.memory_space<hbm>>
    tpu.wait_indirect_dma semaphore(%arg19 : memref<!tpu.dma_semaphore, #tpu.memory_space<semaphore_mem>>) src(%dma_wait3A_939 : memref<7936x128xf32, #tpu.memory_space<hbm>>) dst(%arg15 : memref<128x128xf32, #tpu.memory_space<vmem>>)
    %dma_wait3A_940 = arith.constant 1 : i32
    %dma_wait3A_941 = arith.constant 0 : i32
    %dma_wait3A_942 = tpu.memref_slice %arg12[%dma_wait3A_940, %dma_wait3A_941] : memref<2x128xi32, #tpu.memory_space<vmem>> -> memref<1x128xi32, #tpu.memory_space<vmem>>
    %dma_wait3A_943 = tpu.memref_squeeze %dma_wait3A_942 : memref<1x128xi32, #tpu.memory_space<vmem>> -> memref<128xi32, #tpu.memory_space<vmem>>
    %dma_wait3A_944 = arith.constant 0 : i32
    %dma_wait3A_945 = arith.constant 0 : i32
    %dma_wait3A_946 = tpu.memref_slice %arg7[%dma_wait3A_944, %dma_wait3A_945] : memref<7936x128xf32, #tpu.memory_space<hbm>> -> memref<7936x128xf32, #tpu.memory_space<hbm>>
    tpu.wait_indirect_dma semaphore(%arg19 : memref<!tpu.dma_semaphore, #tpu.memory_space<semaphore_mem>>) src(%dma_wait3A_946 : memref<7936x128xf32, #tpu.memory_space<hbm>>) dst(%arg16 : memref<128x128xf32, #tpu.memory_space<vmem>>)
    %scan3A_947 = arith.constant 0 : i32
    %scan3A_948 = arith.constant 0 : i32
    %scan3A_949 = arith.constant 8 : i32
    %scan3A_950 = arith.addi %scan3A_948, %scan3A_949 : i32
    %scan3A_951 = arith.constant 1 : i32
    scf.for %scan3A_953 = %scan3A_948 to %scan3A_950 step %scan3A_951  : i32 {
      %mul3A_954 = arith.constant 16 : i32
      %mul3A_955 = arith.muli %scan3A_953, %mul3A_954 : i32
      %add3A_956 = vector.broadcast %mul3A_955 : i32 to vector<16xi32>
      %add3A_957 = arith.addi %add3A_956, %iota3A : vector<16xi32>
      %mul3A_958 = arith.constant 16 : i32
      %mul3A_959 = arith.muli %scan3A_953, %mul3A_958 : i32
      %get3A_960 = arith.constant 3 : i32
      %get3A_961 = arith.index_cast %get3A_960 : i32 to index
      %get3A_962 = arith.index_cast %mul3A_959 : i32 to index
      %get3A_963 = tpu.vector_load %arg10[%get3A_961, %get3A_962] {strides = array<i32>} : memref<4x128xi32, #tpu.memory_space<vmem>>, vector<16xi32>,
      %and3A = arith.constant 127 : i32
      %and3A_964 = vector.broadcast %and3A : i32 to vector<16xi32>
      %and3A_965 = arith.andi %get3A_963, %and3A_964 : vector<16xi32>
      %mul3A_966 = arith.constant 16 : i32
      %mul3A_967 = arith.muli %scan3A_953, %mul3A_966 : i32
      %get3A_968 = arith.constant 3 : i32
      %get3A_969 = arith.index_cast %get3A_968 : i32 to index
      %get3A_970 = arith.index_cast %mul3A_967 : i32 to index
      %get3A_971 = tpu.vector_load %arg11[%get3A_969, %get3A_970] {strides = array<i32>} : memref<4x128xi32, #tpu.memory_space<vmem>>, vector<16xi32>,
      %and3A_972 = arith.constant 127 : i32
      %and3A_973 = vector.broadcast %and3A_972 : i32 to vector<16xi32>
      %and3A_974 = arith.andi %get3A_971, %and3A_973 : vector<16xi32>
      %gather3A = tpu.vector_load_idx %arg13[%add3A_957, %and3A_965] : memref<128x128xf32, #tpu.memory_space<vmem>>[vector<16xi32>, vector<16xi32>], vector<16xf32>,
      %gather3A_975 = tpu.vector_load_idx %arg15[%add3A_957, %and3A_974] : memref<128x128xf32, #tpu.memory_space<vmem>>[vector<16xi32>, vector<16xi32>], vector<16xf32>,
      %add3A_976 = arith.addf %gather3A, %gather3A_975 : vector<16xf32>
      %gather3A_977 = tpu.vector_load_idx %arg14[%add3A_957, %and3A_965] : memref<128x128xf32, #tpu.memory_space<vmem>>[vector<16xi32>, vector<16xi32>], vector<16xf32>,
      %gather3A_978 = tpu.vector_load_idx %arg16[%add3A_957, %and3A_974] : memref<128x128xf32, #tpu.memory_space<vmem>>[vector<16xi32>, vector<16xi32>], vector<16xf32>,
      %add3A_979 = arith.addf %gather3A_977, %gather3A_978 : vector<16xf32>
      %add3A_980 = arith.constant 24 : i32
      %add3A_981 = arith.addi %add3A_980, %scan3A_953 : i32
      %mul3A_982 = arith.constant 16 : i32
      %mul3A_983 = arith.muli %add3A_981, %mul3A_982 : i32
      %swap3A_984 = arith.index_cast %mul3A_983 : i32 to index
      %swap3A_985 = tpu.vector_load %arg17[%swap3A_984] {strides = array<i32>} : memref<512xf32, #tpu.memory_space<vmem>>, vector<16xf32>,
      tpu.vector_store %arg17[%swap3A_984], %add3A_976 {strides = array<i32>} : memref<512xf32, #tpu.memory_space<vmem>>, vector<16xf32>,
      %swap3A_986 = arith.index_cast %mul3A_983 : i32 to index
      %swap3A_987 = tpu.vector_load %arg18[%swap3A_986] {strides = array<i32>} : memref<512xf32, #tpu.memory_space<vmem>>, vector<16xf32>,
      tpu.vector_store %arg18[%swap3A_986], %add3A_979 {strides = array<i32>} : memref<512xf32, #tpu.memory_space<vmem>>, vector<16xf32>,
    }
    %scan3A_952 = arith.constant 8 : i32
    "tpu.region"() ({
      %run_scoped3A = tpu.sem_alloc : memref<!tpu.dma_semaphore, #tpu.memory_space<semaphore_mem>>
      %dma_start3A_953 = tpu.memref_slice %arg8[%mul3A_2] : memref<16384xf32, #tpu.memory_space<hbm>> -> memref<512xf32, #tpu.memory_space<hbm>>
      %dma_start3A_954 = tpu.memref_slice %arg8[%mul3A_2] : memref<16384xf32, #tpu.memory_space<hbm>> -> memref<512xf32, #tpu.memory_space<hbm>>
      tpu.enqueue_dma source(%arg17 : memref<512xf32, #tpu.memory_space<vmem>>) target(%dma_start3A_954 : memref<512xf32, #tpu.memory_space<hbm>>) target_semaphore(%run_scoped3A : memref<!tpu.dma_semaphore, #tpu.memory_space<semaphore_mem>>)
      %dma_wait3A_955 = tpu.memref_slice %arg8[%mul3A_2] : memref<16384xf32, #tpu.memory_space<hbm>> -> memref<512xf32, #tpu.memory_space<hbm>>
      %dma_wait3A_956 = tpu.memref_slice %arg8[%mul3A_2] : memref<16384xf32, #tpu.memory_space<hbm>> -> memref<512xf32, #tpu.memory_space<hbm>>
      tpu.wait_dma2 semaphore(%run_scoped3A : memref<!tpu.dma_semaphore, #tpu.memory_space<semaphore_mem>>) src(%arg17 : memref<512xf32, #tpu.memory_space<vmem>>) dst(%dma_wait3A_956 : memref<512xf32, #tpu.memory_space<hbm>>)
      tpu.yield
    }) : () -> ()
    "tpu.region"() ({
      %run_scoped3A = tpu.sem_alloc : memref<!tpu.dma_semaphore, #tpu.memory_space<semaphore_mem>>
      %dma_start3A_953 = tpu.memref_slice %arg9[%mul3A_2] : memref<16384xf32, #tpu.memory_space<hbm>> -> memref<512xf32, #tpu.memory_space<hbm>>
      %dma_start3A_954 = tpu.memref_slice %arg9[%mul3A_2] : memref<16384xf32, #tpu.memory_space<hbm>> -> memref<512xf32, #tpu.memory_space<hbm>>
      tpu.enqueue_dma source(%arg18 : memref<512xf32, #tpu.memory_space<vmem>>) target(%dma_start3A_954 : memref<512xf32, #tpu.memory_space<hbm>>) target_semaphore(%run_scoped3A : memref<!tpu.dma_semaphore, #tpu.memory_space<semaphore_mem>>)
      %dma_wait3A_955 = tpu.memref_slice %arg9[%mul3A_2] : memref<16384xf32, #tpu.memory_space<hbm>> -> memref<512xf32, #tpu.memory_space<hbm>>
      %dma_wait3A_956 = tpu.memref_slice %arg9[%mul3A_2] : memref<16384xf32, #tpu.memory_space<hbm>> -> memref<512xf32, #tpu.memory_space<hbm>>
      tpu.wait_dma2 semaphore(%run_scoped3A : memref<!tpu.dma_semaphore, #tpu.memory_space<semaphore_mem>>) src(%arg18 : memref<512xf32, #tpu.memory_space<vmem>>) dst(%dma_wait3A_956 : memref<512xf32, #tpu.memory_space<hbm>>)
      tpu.yield
    }) : () -> ()
    return
  }
}

module attributes {stable_mosaic.version = 14 : i64} {
  func.func @_tc_body(%arg0: i32, %arg1: memref<2x32xf32, #tpu.memory_space<vmem>>, %arg2: memref<2x32xf32, #tpu.memory_space<vmem>>, %arg3: memref<32x32768xf32, #tpu.memory_space<vmem>>, %arg4: memref<32x32768xf32, #tpu.memory_space<vmem>>, %arg5: memref<32768xf32, #tpu.memory_space<vmem>>, %arg6: memref<32768xf32, #tpu.memory_space<vmem>>, %arg7: memref<32768xf32, #tpu.memory_space<vmem>>, %arg8: memref<32768xf32, #tpu.memory_space<vmem>>) attributes {dimension_semantics = [#tpu.dimension_semantics<arbitrary>], iteration_bounds = array<i64: 31>, scalar_prefetch = 0 : i64, scratch_operands = 0 : i64, tpu.core_type = #tpu.core_type<tc>, window_params = [{pipeline_mode = #tpu.pipeline_mode<synchronous>, transform_indices = @transform_0, window_bounds = array<i64: 2, 32>}, {pipeline_mode = #tpu.pipeline_mode<synchronous>, transform_indices = @transform_1, window_bounds = array<i64: 2, 32>}, {transform_indices = @transform_2, window_bounds = array<i64: 32, 32768>}, {transform_indices = @transform_3, window_bounds = array<i64: 32, 32768>}, {transform_indices = @transform_4, window_bounds = array<i64: 32768>}, {transform_indices = @transform_5, window_bounds = array<i64: 32768>}, {transform_indices = @transform_6, window_bounds = array<i64: 32768>}, {transform_indices = @transform_7, window_bounds = array<i64: 32768>}]} {
    %get3A = arith.constant 0 : index
    %get3A_0 = arith.constant 0 : index
    %get3A_1 = vector.load %arg1[%get3A, %get3A_0] : memref<2x32xf32, #tpu.memory_space<vmem>>, vector<2x32xf32>
    %get3A_2 = arith.constant 0 : index
    %get3A_3 = arith.constant 0 : index
    %get3A_4 = vector.load %arg3[%get3A_2, %get3A_3] : memref<32x32768xf32, #tpu.memory_space<vmem>>, vector<32x32768xf32>
    %dot_general3A = arith.constant dense<0.000000e+00> : vector<2x32768xf32>
    %dot_general3A_5 = tpu.matmul %get3A_1, %get3A_4, %dot_general3A {dimension_numbers = #tpu.dot_dimension_numbers<[1], [0], [0], [1], [0, 0, 1, 1], [], []>, transpose_lhs_hint = false} : vector<2x32xf32>, vector<32x32768xf32>, vector<2x32768xf32> -> vector<2x32768xf32>
    %get3A_6 = arith.constant 0 : index
    %get3A_7 = arith.constant 0 : index
    %get3A_8 = vector.load %arg2[%get3A_6, %get3A_7] : memref<2x32xf32, #tpu.memory_space<vmem>>, vector<2x32xf32>
    %get3A_9 = arith.constant 0 : index
    %get3A_10 = arith.constant 0 : index
    %get3A_11 = vector.load %arg4[%get3A_9, %get3A_10] : memref<32x32768xf32, #tpu.memory_space<vmem>>, vector<32x32768xf32>
    %dot_general3A_12 = arith.constant dense<0.000000e+00> : vector<2x32768xf32>
    %dot_general3A_13 = tpu.matmul %get3A_8, %get3A_11, %dot_general3A_12 {dimension_numbers = #tpu.dot_dimension_numbers<[1], [0], [0], [1], [0, 0, 1, 1], [], []>, transpose_lhs_hint = false} : vector<2x32xf32>, vector<32x32768xf32>, vector<2x32768xf32> -> vector<2x32768xf32>
    %slice3A = vector.extract_strided_slice %dot_general3A_5 {offsets = [0, 0], sizes = [1, 32768], strides = [1, 1]} : vector<2x32768xf32> to vector<1x32768xf32>
    %squeeze3A = vector.shape_cast %slice3A : vector<1x32768xf32> to vector<32768xf32>
    %swap3A = arith.constant 0 : index
    %swap3A_14 = vector.load %arg5[%swap3A] : memref<32768xf32, #tpu.memory_space<vmem>>, vector<32768xf32>
    tpu.vector_store %arg5[%swap3A], %squeeze3A {strides = array<i32>} : memref<32768xf32, #tpu.memory_space<vmem>>, vector<32768xf32>,
    %slice3A_15 = vector.extract_strided_slice %dot_general3A_5 {offsets = [1, 0], sizes = [1, 32768], strides = [1, 1]} : vector<2x32768xf32> to vector<1x32768xf32>
    %squeeze3A_16 = vector.shape_cast %slice3A_15 : vector<1x32768xf32> to vector<32768xf32>
    %swap3A_17 = arith.constant 0 : index
    %swap3A_18 = vector.load %arg6[%swap3A_17] : memref<32768xf32, #tpu.memory_space<vmem>>, vector<32768xf32>
    tpu.vector_store %arg6[%swap3A_17], %squeeze3A_16 {strides = array<i32>} : memref<32768xf32, #tpu.memory_space<vmem>>, vector<32768xf32>,
    %slice3A_19 = vector.extract_strided_slice %dot_general3A_13 {offsets = [0, 0], sizes = [1, 32768], strides = [1, 1]} : vector<2x32768xf32> to vector<1x32768xf32>
    %squeeze3A_20 = vector.shape_cast %slice3A_19 : vector<1x32768xf32> to vector<32768xf32>
    %swap3A_21 = arith.constant 0 : index
    %swap3A_22 = vector.load %arg7[%swap3A_21] : memref<32768xf32, #tpu.memory_space<vmem>>, vector<32768xf32>
    tpu.vector_store %arg7[%swap3A_21], %squeeze3A_20 {strides = array<i32>} : memref<32768xf32, #tpu.memory_space<vmem>>, vector<32768xf32>,
    %slice3A_23 = vector.extract_strided_slice %dot_general3A_13 {offsets = [1, 0], sizes = [1, 32768], strides = [1, 1]} : vector<2x32768xf32> to vector<1x32768xf32>
    %squeeze3A_24 = vector.shape_cast %slice3A_23 : vector<1x32768xf32> to vector<32768xf32>
    %swap3A_25 = arith.constant 0 : index
    %swap3A_26 = vector.load %arg8[%swap3A_25] : memref<32768xf32, #tpu.memory_space<vmem>>, vector<32768xf32>
    tpu.vector_store %arg8[%swap3A_25], %squeeze3A_24 {strides = array<i32>} : memref<32768xf32, #tpu.memory_space<vmem>>, vector<32768xf32>,
    return
  }
  func.func @transform_0(%arg0: i32) -> (i32, i32) {
    %c0_i32 = arith.constant 0 : i32
    %c0_i32_0 = arith.constant 0 : i32
    %c0_i32_1 = arith.constant 0 : i32
    return %c0_i32, %c0_i32_0 : i32, i32
  }
  func.func @transform_1(%arg0: i32) -> (i32, i32) {
    %c0_i32 = arith.constant 0 : i32
    %c0_i32_0 = arith.constant 0 : i32
    %c0_i32_1 = arith.constant 0 : i32
    return %c0_i32, %c0_i32_0 : i32, i32
  }
  func.func @transform_2(%arg0: i32) -> (i32, i32) {
    %c0_i32 = arith.constant 0 : i32
    %c0_i32_0 = arith.constant 0 : i32
    return %c0_i32, %arg0 : i32, i32
  }
  func.func @transform_3(%arg0: i32) -> (i32, i32) {
    %c0_i32 = arith.constant 0 : i32
    %c0_i32_0 = arith.constant 0 : i32
    return %c0_i32, %arg0 : i32, i32
  }
  func.func @transform_4(%arg0: i32) -> i32 {
    %c0_i32 = arith.constant 0 : i32
    return %arg0 : i32
  }
  func.func @transform_5(%arg0: i32) -> i32 {
    %c0_i32 = arith.constant 0 : i32
    return %arg0 : i32
  }
  func.func @transform_6(%arg0: i32) -> i32 {
    %c0_i32 = arith.constant 0 : i32
    return %arg0 : i32
  }
  func.func @transform_7(%arg0: i32) -> i32 {
    %c0_i32 = arith.constant 0 : i32
    return %arg0 : i32
  }
}

</mosaic_0001>

<sc_bundles>
// kernel: _run.4.cloned.1.call-start
scs
__scs_entry_jumppad:
0x0: {  	(pc) =	sbr.rel $0x88, $3  }
0x1: {  	(tag) =	ssettag $0x0;
	lr =	simm.s32 $0x1  }
0x2: {  	[smem:$0x3F9C] =	sst lr;
	_ =	strace $0xD0000000  }
0x3: {  	_ = 	snop  }
0x4: {  	_ = 	snop  }
0x5: {  	_ = 	snop  }
0x6: {  	_ = 	snop  }
0x7: {  	_ = 	snop  }
__scs_overlays_trampoline_lowered:
0x8: {  	[smem:$0x3FAB] =	sst s0  }
0x9: {  	[smem:$0x3FAC] =	sst s1  }
0xa: {  	[smem:$0x3FAD] =	sst s2  }
0xb: {  	[smem:$0x3FAE] =	sst s3  }
0xc: {  	[smem:$0x3FAF] =	sst s4  }
0xd: {  	[smem:$0x3FB0] =	sst s5  }
0xe: {  	[smem:$0x3FB1] =	sst s6  }
0xf: {  	[smem:$0x3FB2] =	sst s7  }
0x10: {  	[smem:$0x3FB3] =	sst s8  }
0x11: {  	[smem:$0x3FB4] =	sst s9;
	s0 =	simm.s32 @!p0 $0x0  }
0x12: {  	s1 =	sld [smem:$0x3F9A];
	s0 =	simm.s32 @p0 $0x1  }
0x13: {  	[smem:$0x3FB5] =	sst s0;
	s0 =	simm.s32 @!p1 $0x0  }
0x14: {  	s2 =	sld [smem:$0x3F99];
	s0 =	simm.s32 @p1 $0x1  }
0x15: {  	[smem:$0x3FB6] =	sst s0;
	s0 =	simm.s32 @!p2 $0x0  }
0x16: {  	s3 =	sld [smem:$0x3FDB];
	s0 =	simm.s32 @p2 $0x1  }
0x17: {  	s4 =	simm.s32 $0x1BF5;
	[smem:$0x3FB8] =	sst s0  }
0x18: {  	s0 =	sld [smem:$0x3F9B];
	_ =	swait.ge [sflag:s4], $0x0  }
0x19: {  	s7 =	sld [smem:$0x3F9C]  }
0x1a: {  	s8 =	sadd.s32 $0xFFFFE003, lr  }
0x1b: {  	s9 =	sadd.s32 $0xFFFFFEF7, lr;
	s5 =	simm.s32 $0xFFFFFFFF;
	p2 =	slt.u32 s8, $0xFFFFF086  }
0x1c: {  	p1 =	slt.u32 s9, $0xF7A;
	s5 =	simm.s32 @!p2 $0x0  }
0x1d: {  	s5 =	simm.s32 @p1 $0x1;
	p0 =	seq.s32 s7, s2  }
0x1e: {  	s7 =	smul.u32 @!p0 $0xF7A, s2;
	p2 =	seq.s32 @!p0 s5, $0x0  }
0x1f: {  	s9 =	smul.u32 $0xF7A, s1;
	s8 =	simm.s32 @!p0 $0x1BF5;
	p2 =	por !p2, p0  }
0x20: {  	[sflag:s8] =	ssyncset.s32 @!p0 $0xFFFFF086;
	s6 =	sadd.s32 @!p0 s3, s7;
	s7 =	simm.s32 @!p0 $0x108  }
0x21: {  	s3 =	sadd.s32 s3, s9;
	s6 =	sadd.s32 @!p0 $0x88, s6;
	s7 =	simm.s32 @p2 $0x1082  }
0x22: {  	[simem:s7], [sflag:s8] =	dma.local @!p0 [hbm:s6], $0xF7A  }
0x23: {  	s9 =	sor.u32 $0xD0000000, s2;
	s6 =	simm.s32 $0x108;
	_ =	swait.ge @!p0 [sflag:s8], $0x0  }
0x24: {  	s3 =	sadd.s32 $0x88, s3;
	s6 =	simm.s32 @!p1 $0x1082;
	[sflag:s4] =	ssyncset.s32 $0xFFFFF086  }
0x25: {  	[simem:s6], [sflag:s4] =	dma.local [hbm:s3], $0xF7A  }
0x26: {  	[smem:$0x3F9C] =	sst s1;
	(tag) =	ssettag s2;
	_ =	strace s9  }
0x27: {  	s1 =	sld [smem:$0x3FAC]  }
0x28: {  	s2 =	sld [smem:$0x3FAD]  }
0x29: {  	s4 =	sld [smem:$0x3FAF]  }
0x2a: {  	p0 =	seq.s32 s5, $0x0;
	s5 =	sld [smem:$0x3FB0]  }
0x2b: {  	s6 =	sld [smem:$0x3FB1]  }
0x2c: {  	s7 =	sld [smem:$0x3FB2]  }
0x2d: {  	s3 =	simm.s32 $0x108;
	s8 =	sld [smem:$0x3FB3]  }
0x2e: {  	s3 =	simm.s32 @!p0 $0x1082;
	s9 =	sld [smem:$0x3FB4]  }
0x2f: {  	lr =	sadd.s32 s0, s3;
	s0 =	sld [smem:$0x3FAB]  }
0x30: {  	s3 =	sld [smem:$0x3FAE]  }
0x31: {  	[smem:$0x3FB7] =	sst s10  }
0x32: {  	s10 =	sld [smem:$0x3FB5];
	_ =	sdelay $0x3  }
0x33: {  	p0 =	seq.s32 s10, $0x1;
	s10 =	sld [smem:$0x3FB7];
	_ =	sdelay $0x3  }
0x34: {  	[smem:$0x3FB7] =	sst s10  }
0x35: {  	s10 =	sld [smem:$0x3FB6];
	_ =	sdelay $0x3  }
0x36: {  	p1 =	seq.s32 s10, $0x1;
	s10 =	sld [smem:$0x3FB7];
	_ =	sdelay $0x3  }
0x37: {  	[smem:$0x3FB7] =	sst s10  }
0x38: {  	s10 =	sld [smem:$0x3FB8]  }
0x39: {  	_ = 	snop;
	(pc) =	sbr.ind lr, $3  }
0x3a: {  	_ = 	snop  }
0x3b: {  	_ = 	snop  }
0x3c: {  	p2 =	seq.s32 s10, $0x1;
	s10 =	sld [smem:$0x3FB7]  }
0x3d: {  	_ =	shalt  }
0x3e: {  	_ =	shalt  }
0x3f: {  	_ =	shalt  }
0x40: {  	_ =	shalt  }
0x41: {  	_ =	shalt  }
0x42: {  	_ =	shalt  }
0x43: {  	_ =	shalt  }
0x44: {  	_ =	shalt  }
0x45: {  	_ =	shalt  }
0x46: {  	_ =	shalt  }
0x47: {  	_ =	shalt  }
0x48: {  	_ =	shalt  }
0x49: {  	_ =	shalt  }
0x4a: {  	_ =	shalt  }
0x4b: {  	_ =	shalt  }
0x4c: {  	_ =	shalt  }
0x4d: {  	_ =	shalt  }
0x4e: {  	_ =	shalt  }
0x4f: {  	_ =	shalt  }
0x50: {  	_ =	shalt  }
0x51: {  	_ =	shalt  }
0x52: {  	_ =	shalt  }
0x53: {  	_ =	shalt  }
0x54: {  	_ =	shalt  }
0x55: {  	_ =	shalt  }
0x56: {  	_ =	shalt  }
0x57: {  	_ =	shalt  }
0x58: {  	_ =	shalt  }
0x59: {  	_ =	shalt  }
0x5a: {  	_ =	shalt  }
0x5b: {  	_ =	shalt  }
0x5c: {  	_ =	shalt  }
0x5d: {  	_ =	shalt  }
0x5e: {  	_ =	shalt  }
0x5f: {  	_ =	shalt  }
0x60: {  	_ =	shalt  }
0x61: {  	_ =	shalt  }
0x62: {  	_ =	shalt  }
0x63: {  	_ =	shalt  }
0x64: {  	_ =	shalt  }
0x65: {  	_ =	shalt  }
0x66: {  	_ =	shalt  }
0x67: {  	_ =	shalt  }
0x68: {  	_ =	shalt  }
0x69: {  	_ =	shalt  }
0x6a: {  	_ =	shalt  }
0x6b: {  	_ =	shalt  }
0x6c: {  	_ =	shalt  }
0x6d: {  	_ =	shalt  }
0x6e: {  	_ =	shalt  }
0x6f: {  	_ =	shalt  }
0x70: {  	_ =	shalt  }
0x71: {  	_ =	shalt  }
0x72: {  	_ =	shalt  }
0x73: {  	_ =	shalt  }
0x74: {  	_ =	shalt  }
0x75: {  	_ =	shalt  }
0x76: {  	_ =	shalt  }
0x77: {  	_ =	shalt  }
0x78: {  	_ =	shalt  }
0x79: {  	_ =	shalt  }
0x7a: {  	_ =	shalt  }
0x7b: {  	_ =	shalt  }
0x7c: {  	_ =	shalt  }
0x7d: {  	_ =	shalt  }
0x7e: {  	_ =	shalt  }
0x7f: {  	_ =	shalt  }
0x80: {  	_ =	shalt  }
0x81: {  	_ =	shalt  }
0x82: {  	_ =	shalt  }
0x83: {  	_ =	shalt  }
0x84: {  	_ =	shalt  }
0x85: {  	_ =	shalt  }
0x86: {  	_ =	shalt  }
0x87: {  	_ =	shalt  }
.Lfunc_end0:
.L_simem_size_0:
called_computation_lowered:
.L_overlay_start_0:
0x88: {  	s2 =	sld [smem:$0x3FD9]  }
0x89: {  	s3 =	sld [smem:$0x3FFE];
	_ =	sdelay $0x1  }
0x8a: {  	s1 =	srdreg.scid  }
0x8b: {  	s0 =	sand.u32 $0x1, s1  }
0x8c: {  	s14 =	sshll.u32 s0, $0xA;
	s2 =	sadd.s32 s3, s2  }
0x8d: {  	s2 =	sadd.s32 s2, s14  }
0x8e: {  	[smem:$0x3FC3] =	sst s2  }
0x8f: {  	_ = 	snop  }
0x90: {  	s2 =	sld [smem:$0x3FD0];
	_ =	sdelay $0x2  }
0x91: {  	s15 =	simm.s32 $0xA;
	s4 =	simm.s32 $0x10  }
0x92: {  	[smem:s4], [sflag:s15] =	dma.local [hbm:s2], $0x1  }
0x93: {  	_ =	swait.eq [sflag:s15], $0x1  }
0x94: {  	[sflag:s15] =	ssyncset.done $0x0  }
0x95: {  	s16 =	sld [smem:$0x10];
	[sflag:s15] =	ssyncadd.s32 $0xFFFFFFFF  }
0x96: {  	s17 =	sld [smem:$0x11];
	(tm) =	ssettm $0x1  }
0x97: {  	s18 =	sld [smem:$0x3FFB];
	_ =	sdelay $0x3  }
0x98: {  	_ =	strace s18  }
0x99: {  	s4 =	sld [smem:$0x3FFC];
	_ =	sdelay $0x3  }
0x9a: {  	_ =	strace s4  }
0x9b: {  	s4 =	sld [smem:$0x3FFD];
	_ =	sdelay $0x3  }
0x9c: {  	_ =	strace s4  }
0x9d: {  	_ =	strace $0x8FFFFFFF  }
0x9e: {  	s19 =	sld [smem:$0x3FDB];
	_ =	sdelay $0x1  }
0x9f: {  	s5 =	simm.s32 $_scs_section_size  }
0xa0: {  	s6 =	simm.s32 $_size__tile_overlayer_lowered;
	s7 =	simm.s32 $_tile_overlayer_lowered  }
0xa1: {  	s22 =	simm.s32 $0x1BFF;
	s21 =	sshll.u32 s7, $0x1;
	s4 =	sadd.s32 s5, s19  }
0xa2: {  	s8 =	simm.s32 $0x0;
	s20 =	sshll.u32 s6, $0x1;
	s6 =	sadd.s32 s21, s4  }
0xa3: {  	[timem:s8], [sflag:s22] =	dma.local [hbm:s6], s20  }
0xa4: {  	_ =	swait.ge [sflag:s22], s20  }
0xa5: {  	s5 =	ssub.s32 $0x0, s20;
	[sflag:s22] =	ssyncset.done $0x0  }
0xa6: {  	[sflag:s22] =	ssyncadd.s32 s5;
	_ =	sdelay $0x1  }
0xa7: {  	s23 =	simm.s32 $0x1B8B  }
0xa8: {  	_ =	swait.ge [sflag:s23], $0x1  }
0xa9: {  	[sflag:s23] =	ssyncset.done $0x0  }
0xaa: {  	s25 =	simm.s32 $0x1B8E;
	s24 =	sld [smem:$0x3FFE];
	[sflag:s23] =	ssyncadd.s32 $0xFFFFFFFF  }
0xab: {  	s26 =	simm.s32 $execute0_lowered;
	[smem:$0x3FD2] =	sst s25  }
0xac: {  	s6 =	sshll.u32 s26, $0x1;
	_ =	strace $0x80000046;
	[dreg:$0x1] =	wrdreg $0xFFFFFFFF  }
0xad: {  	s28 =	simm.s32 $_size_execute0_lowered;
	s4 =	sadd.s32 s4, s6;
	[dreg:$0x0] =	wrdreg $0x0  }
0xae: {  	s6 =	sshll.u32 s28, $0x1;
	[dreg:$0x2] =	wrdreg s4  }
0xaf: {  	[dreg:$0x3] =	wrdreg s6  }
0xb0: {  	[dreg:$0x4] =	wrdreg $0xC0  }
0xb1: {  	_ =	task [dreg:s8], $0x5FFFF  }
0xb2: {  	[dreg:$0x1] =	wrdreg $0xFFFFFFFF  }
0xb3: {  	[dreg:$0x0] =	wrdreg $0x60  }
0xb4: {  	[dreg:$0x2] =	wrdreg s24  }
0xb5: {  	[dreg:$0x3] =	wrdreg s16  }
0xb6: {  	[dreg:$0x4] =	wrdreg s17  }
0xb7: {  	[dreg:$0x5] =	wrdreg $0x9  }
0xb8: {  	_ =	task.clear_ibuf [dreg:s8], $0x6FFFF;
	_ =	strace $0x90000046  }
0xb9: {  	s29 =	simm.s32 $0x9;
	_ =	strace $0x80000048  }
0xba: {  	_ =	swait.ge [sflag:s29], $0x1  }
0xbb: {  	[sflag:s29] =	ssyncadd.s32 $0xFFFFFFFF  }
0xbc: {  	_ =	strace $0x90000048  }
0xbd: {  	_ =	sfence  }
0xbe: {  	s30 =	sld [smem:$0x0];
	_ =	sdelay $0x2  }
0xbf: {  	s31 =	sshll.u32 s1, $0xD;
	s1 =	sshrl.u32 s1, $0x2  }
0xc0: {  	s3 =	sand.u32 $0x4000, s31;
	s1 =	sadd.s32 s1, s30  }
0xc1: {  	s0 =	sor.u32 s3, s0;
	s1 =	sshll.u32 s1, $0x11  }
0xc2: {  	s0 =	sor.u32 s1, s0  }
0xc3: {  	s0 =	sadd.s32 $0x8F2B, s0  }
0xc4: {  	[sflag:s0] =	ssyncadd.remote.s32 $0x1  }
0xc5: {  	_ =	sfence.sel $0xFFFF  }
0xc6: {  	[dreg:$0x0] =	wrdreg $0xFFFFFFFF;
	(pc) =	sbr.abs _section_cstart, $3  }
0xc7: {  	[dreg:$0x1] =	wrdreg $0xFFFFFFFF  }
0xc8: {  	_ =	task.clear_ibuf [dreg:s8], $0x2FFFF;
	_ =	strace $0x9FFFFFFF  }
0xc9: {  	(tm) =	ssettm $0x7FFFFFFF  }
tec
execute0_lowered:
.L_overlay_start_1:
0x0: {  	(tag) =	ssettag $0x1  }
0x1: {  	s6 =	rddreg [dreg:$0x0]  }
0x2: {  	s9 =	rddreg [dreg:$0x1]  }
0x3: {  	s10 =	rddreg [dreg:$0x2]  }
0x4: {  	s2 =	srdreg.scid;
	s0 =	rddreg [dreg:$0x3]  }
0x5: {  	s1 =	stileid.u32;
	s13 =	simm.s32 $0x80;
	s14 =	simm.s32 $0x400  }
0x6: {  	s15 =	simm.s32 $0x500;
	s16 =	simm.s32 $0x4500;
	s17 =	simm.s32 $0x480  }
0x7: {  	s18 =	simm.s32 $0x8500;
	s19 =	simm.s32 $0xC500;
	s20 =	simm.s32 $0x1  }
0x8: {  	s21 =	simm.s32 $0x10500;
	s22 =	simm.s32 $0x10700;
	s23 =	simm.s32 $0x0  }
0x9: {  	s5 =	sand.u32 $0x1, s2;
	s2 =	simm.s32 $0x0;
	s3 =	sshll.u32 s1, $0x7  }
0xa: {  	s4 =	sshll.u32 s5, $0x6;
	[smem:$0x7FF] =	sst s2;
	s7 =	ssub.s32 $0x2, s5  }
0xb: {  	s5 =	sadd.s32 $0x40A00, s6;
	s11 =	sor.u32 s4, s3;
	_ =	strace $0x80000047  }
0xc: {  	s3 =	sadd.s32 $0x2A00, s6;
	s4 =	sadd.s32 $0x21A00, s6;
	s12 =	sshrl.u32 s7, $0x1  }
0xd: {  	s8 =	sadd.s32 s11, s6;
	s6 =	sadd.s32 $0x5FA00, s6;
	s12 =	ssub.s32 s7, s12  }
0xe: {  	v0 =	vlaneseq.u32;
	s9 =	sadd.s32 s9, s11;
	s10 =	sadd.s32 s10, s11;
	s7 =	sadd.s32 $0x2200, s8  }
0xf: {  	v0 =	vmul.u32 $0x80, v0;
	s8 =	sadd.s32 $0x1A00, s8;
	s11 =	smax.u32 s12, $0x1;
	s12 =	simm.s32 $0x2  }
.LBB2_1:
0x10: {  	[tilespmem:s2], [sflag:$0x2] =	stream.linear.gather [hbm4b:s7+s2], $0x200, $0x38;
	[tilespmem:$0x10900] =	vst v63  }
0x11: {  	_ =	swait.ge [sflag:s12], $0x200  }
0x12: {  	[sflag:s12] =	ssyncset.done $0x0  }
0x13: {  	s24 =	simm.s32 $0x200;
	[sflag:s12] =	ssyncadd.s32 $0xFFFFFE00  }
0x14: {  	[tilespmem:s24], [sflag:$0x2] =	stream.linear.gather [hbm4b:s8+s2], $0x200, $0x38;
	[tilespmem:$0x10900] =	vst v63  }
0x15: {  	_ =	swait.ge [sflag:s12], $0x200  }
0x16: {  	[sflag:s12] =	ssyncset.done $0x0  }
0x17: {  	[sflag:s12] =	ssyncadd.s32 $0xFFFFFE00  }
0x18: {  	v1 =	vld [tilespmem:$0x0]  }
0x19: {  	v2 =	vld [tilespmem:$0x200]  }
0x1a: {  	v3 =	vld [tilespmem:$0x10]  }
0x1b: {  	v4 =	vld [tilespmem:$0x210]  }
0x1c: {  	v5 =	vld [tilespmem:$0x20]  }
0x1d: {  	v6 =	vld [tilespmem:$0x220];
	v1 =	vshrl.u32 v1, $0x7  }
0x1e: {  	[tilespmem:$0x400] =	vst v1;
	v1 =	vshrl.u32 v2, $0x7;
	v2 =	vld [tilespmem:$0x30]  }
0x1f: {  	[tilespmem:$0x480] =	vst v1;
	v1 =	vshrl.u32 v3, $0x7;
	v3 =	vld [tilespmem:$0x230]  }
0x20: {  	v57 =	vld [tilespmem:$0x40];
	[tilespmem:$0x410] =	vst v1;
	v1 =	vshrl.u32 v4, $0x7  }
0x21: {  	v58 =	vld [tilespmem:$0x240];
	[tilespmem:$0x490] =	vst v1;
	v1 =	vshrl.u32 v5, $0x7  }
0x22: {  	v59 =	vld [tilespmem:$0x50];
	[tilespmem:$0x420] =	vst v1;
	v1 =	vshrl.u32 v6, $0x7  }
0x23: {  	[tilespmem:$0x4A0] =	vst v1;
	v1 =	vshrl.u32 v2, $0x7;
	v2 =	vld [tilespmem:$0x250]  }
0x24: {  	[tilespmem:$0x430] =	vst v1;
	v1 =	vshrl.u32 v3, $0x7;
	v3 =	vld [tilespmem:$0x60]  }
0x25: {  	v60 =	vld [tilespmem:$0x260];
	[tilespmem:$0x4B0] =	vst v1;
	v1 =	vshrl.u32 v57, $0x7  }
0x26: {  	v61 =	vld [tilespmem:$0x70];
	[tilespmem:$0x440] =	vst v1;
	v1 =	vshrl.u32 v58, $0x7  }
0x27: {  	v62 =	vld [tilespmem:$0x270];
	[tilespmem:$0x4C0] =	vst v1;
	v1 =	vshrl.u32 v59, $0x7  }
0x28: {  	[tilespmem:$0x450] =	vst v1;
	v1 =	vshrl.u32 v2, $0x7  }
0x29: {  	[tilespmem:$0x4D0] =	vst v1;
	v1 =	vshrl.u32 v3, $0x7  }
0x2a: {  	[tilespmem:$0x460] =	vst v1;
	v1 =	vshrl.u32 v60, $0x7  }
0x2b: {  	[tilespmem:$0x4E0] =	vst v1;
	v1 =	vshrl.u32 v61, $0x7  }
0x2c: {  	[tilespmem:$0x470] =	vst v1;
	v1 =	vshrl.u32 v62, $0x7  }
0x2d: {  	[tilespmem:$0x4F0] =	vst v1  }
0x2e: {  	[tilespmem:s15], [sflag:$0x1] =	stream.indirect.gather [hbm4b:s3+s13], $0x80, s14, s13, $0xb8;
	[tilespmem:$0x10900] =	vst v63  }
0x2f: {  	_ = 	snop  }
0x30: {  	[tilespmem:s16], [sflag:$0x1] =	stream.indirect.gather [hbm4b:s4+s13], $0x80, s14, s13, $0xb8;
	[tilespmem:$0x10900] =	vst v63  }
0x31: {  	_ = 	snop  }
0x32: {  	[tilespmem:s18], [sflag:$0x1] =	stream.indirect.gather [hbm4b:s5+s13], $0x80, s17, s13, $0xb8;
	[tilespmem:$0x10900] =	vst v63  }
0x33: {  	_ = 	snop  }
0x34: {  	[tilespmem:s19], [sflag:$0x1] =	stream.indirect.gather [hbm4b:s6+s13], $0x80, s17, s13, $0xb8;
	[tilespmem:$0x10900] =	vst v63  }
0x35: {  	_ =	swait.ge [sflag:s20], $0x4000  }
0x36: {  	[sflag:s20] =	ssyncset.done $0x0  }
0x37: {  	[sflag:s20] =	ssyncadd.s32 $0xFFFFC000  }
0x38: {  	_ =	swait.ge [sflag:s20], $0x4000  }
0x39: {  	[sflag:s20] =	ssyncset.done $0x0  }
0x3a: {  	[sflag:s20] =	ssyncadd.s32 $0xFFFFC000  }
0x3b: {  	_ =	swait.ge [sflag:s20], $0x4000  }
0x3c: {  	[sflag:s20] =	ssyncset.done $0x0  }
0x3d: {  	[sflag:s20] =	ssyncadd.s32 $0xFFFFC000  }
0x3e: {  	_ =	swait.ge [sflag:s20], $0x4000  }
0x3f: {  	[sflag:s20] =	ssyncset.done $0x0  }
0x40: {  	[sflag:s20] =	ssyncadd.s32 $0xFFFFC000  }
0x41: {  	v1 =	vld [tilespmem:s24+$0x0]  }
0x42: {  	v2 =	vld [tilespmem:s2+$0x0];
	_ =	sdelay $0x1  }
0x43: {  	v3 =	vmov s2  }
0x44: {  	v3 =	vshll.u32 v3, $0x7  }
0x45: {  	v3 =	vor.u32 v0, v3;
	v1 =	vand.u32 $0x7F, v1  }
0x46: {  	v2 =	vand.u32 $0x7F, v2;
	v1 =	vor.u32 v3, v1  }
0x47: {  	v2 =	vor.u32 v3, v2;
	_ =	sdelay $0x3  }
0x48: {  	v3 =	vld.idx.msk [tilespmem:v1+s18+$0x0], $0xffff  }
0x49: {  	v63 =	vld.idx.msk [tilespmem:v2+s15+$0x0], $0xffff  }
0x4a: {  	v1 =	vld.idx.msk [tilespmem:v1+s19+$0x0], $0xffff  }
0x4b: {  	v2 =	vld.idx.msk [tilespmem:v2+s16+$0x0], $0xffff;
	_ =	sdelay $0x3  }
0x4c: {  	v3 =	vadd.f32 v3, v63  }
0x4d: {  	s25 =	simm.s32 $0x10;
	s26 =	simm.s32 $0x10710;
	v1 =	vadd.f32 v1, v2  }
0x4e: {  	s30 =	simm.s32 $0x10700;
	s28 =	simm.s32 $0x0;
	s29 =	simm.s32 $0x10500;
	[tilespmem:s21+$0x0] =	vst v3  }
.LBB2_2:
0x4f: {  	[tilespmem:s30+$0x0] =	vst v1;
	s28 =	sadd.s32 $0x10, s28;
	s24 =	sadd.s32 $0x10, s24;
	s29 =	sadd.s32 $0x10, s29  }
0x50: {  	p0 =	sne.s32 s25, $0x70;
	s31 =	smov.u32 s25;
	s25 =	sadd.s32 $0x10, s25;
	v1 =	vld [tilespmem:s24+$0x0]  }
0x51: {  	s30 =	smov.u32 s26  }
0x52: {  	v2 =	vld [tilespmem:s28+$0x0]  }
0x53: {  	v3 =	vmov s31  }
0x54: {  	v3 =	vshll.u32 v3, $0x7  }
0x55: {  	v3 =	vor.u32 v0, v3;
	v1 =	vand.u32 $0x7F, v1  }
0x56: {  	v1 =	vor.u32 v3, v1  }
0x57: {  	v2 =	vand.u32 $0x7F, v2  }
0x58: {  	v2 =	vor.u32 v3, v2;
	_ =	sdelay $0x2  }
0x59: {  	v3 =	vld.idx.msk [tilespmem:v1+s19+$0x0], $0xffff  }
0x5a: {  	v1 =	vld.idx.msk [tilespmem:v1+s18+$0x0], $0xffff  }
0x5b: {  	v4 =	vld.idx.msk [tilespmem:v2+s15+$0x0], $0xffff  }
0x5c: {  	v2 =	vld.idx.msk [tilespmem:v2+s16+$0x0], $0xffff;
	_ =	sdelay $0x2  }
.Ltmp0:
0x5d: {  	(pc) =	sbr.rel @p0 .LBB2_2-.Ltmp0, $4  }
0x5e: {  	_ = 	snop  }
0x5f: {  	v4 =	vadd.f32 v1, v4  }
0x60: {  	v1 =	vadd.f32 v3, v2  }
0x61: {  	s26 =	sadd.s32 $0x10, s26;
	[tilespmem:s29+$0x0] =	vst v4  }
0x62: {  	[tilespmem:s30+$0x0] =	vst v1  }
0x63: {  	v1 =	vld [tilespmem:$0x80]  }
0x64: {  	v2 =	vld [tilespmem:$0x280]  }
0x65: {  	v3 =	vld [tilespmem:$0x90]  }
0x66: {  	v4 =	vld [tilespmem:$0x290]  }
0x67: {  	v5 =	vld [tilespmem:$0xA0]  }
0x68: {  	v6 =	vld [tilespmem:$0x2A0];
	v1 =	vshrl.u32 v1, $0x7  }
0x69: {  	[tilespmem:$0x400] =	vst v1;
	v1 =	vshrl.u32 v2, $0x7;
	v2 =	vld [tilespmem:$0xB0]  }
0x6a: {  	[tilespmem:$0x480] =	vst v1;
	v1 =	vshrl.u32 v3, $0x7;
	v3 =	vld [tilespmem:$0x2B0]  }
0x6b: {  	v57 =	vld [tilespmem:$0xC0];
	[tilespmem:$0x410] =	vst v1;
	v1 =	vshrl.u32 v4, $0x7  }
0x6c: {  	v58 =	vld [tilespmem:$0x2C0];
	[tilespmem:$0x490] =	vst v1;
	v1 =	vshrl.u32 v5, $0x7  }
0x6d: {  	v59 =	vld [tilespmem:$0xD0];
	[tilespmem:$0x420] =	vst v1;
	v1 =	vshrl.u32 v6, $0x7  }
0x6e: {  	[tilespmem:$0x4A0] =	vst v1;
	v1 =	vshrl.u32 v2, $0x7;
	v2 =	vld [tilespmem:$0x2D0]  }
0x6f: {  	[tilespmem:$0x430] =	vst v1;
	v1 =	vshrl.u32 v3, $0x7;
	v3 =	vld [tilespmem:$0xE0]  }
0x70: {  	v60 =	vld [tilespmem:$0x2E0];
	[tilespmem:$0x4B0] =	vst v1;
	v1 =	vshrl.u32 v57, $0x7  }
0x71: {  	v61 =	vld [tilespmem:$0xF0];
	[tilespmem:$0x440] =	vst v1;
	v1 =	vshrl.u32 v58, $0x7  }
0x72: {  	v62 =	vld [tilespmem:$0x2F0];
	[tilespmem:$0x4C0] =	vst v1;
	v1 =	vshrl.u32 v59, $0x7  }
0x73: {  	[tilespmem:$0x450] =	vst v1;
	v1 =	vshrl.u32 v2, $0x7  }
0x74: {  	[tilespmem:$0x4D0] =	vst v1;
	v1 =	vshrl.u32 v3, $0x7  }
0x75: {  	[tilespmem:$0x460] =	vst v1;
	v1 =	vshrl.u32 v60, $0x7  }
0x76: {  	[tilespmem:$0x4E0] =	vst v1;
	v1 =	vshrl.u32 v61, $0x7  }
0x77: {  	[tilespmem:$0x470] =	vst v1;
	v1 =	vshrl.u32 v62, $0x7  }
0x78: {  	s24 =	simm.s32 $0x80;
	[tilespmem:$0x4F0] =	vst v1  }
0x79: {  	[tilespmem:s15], [sflag:$0x1] =	stream.indirect.gather [hbm4b:s3+s24], $0x80, s14, s24, $0xb8;
	[tilespmem:$0x10900] =	vst v63  }
0x7a: {  	_ = 	snop  }
0x7b: {  	[tilespmem:s16], [sflag:$0x1] =	stream.indirect.gather [hbm4b:s4+s24], $0x80, s14, s24, $0xb8;
	[tilespmem:$0x10900] =	vst v63  }
0x7c: {  	_ = 	snop  }
0x7d: {  	[tilespmem:s18], [sflag:$0x1] =	stream.indirect.gather [hbm4b:s5+s24], $0x80, s17, s24, $0xb8;
	[tilespmem:$0x10900] =	vst v63  }
0x7e: {  	_ = 	snop  }
0x7f: {  	[tilespmem:s19], [sflag:$0x1] =	stream.indirect.gather [hbm4b:s6+s24], $0x80, s17, s24, $0xb8;
	[tilespmem:$0x10900] =	vst v63  }
0x80: {  	_ =	swait.ge [sflag:s20], $0x4000  }
0x81: {  	[sflag:s20] =	ssyncset.done $0x0  }
0x82: {  	[sflag:s20] =	ssyncadd.s32 $0xFFFFC000  }
0x83: {  	_ =	swait.ge [sflag:s20], $0x4000  }
0x84: {  	[sflag:s20] =	ssyncset.done $0x0  }
0x85: {  	[sflag:s20] =	ssyncadd.s32 $0xFFFFC000  }
0x86: {  	_ =	swait.ge [sflag:s20], $0x4000  }
0x87: {  	[sflag:s20] =	ssyncset.done $0x0  }
0x88: {  	[sflag:s20] =	ssyncadd.s32 $0xFFFFC000  }
0x89: {  	_ =	swait.ge [sflag:s20], $0x4000  }
0x8a: {  	[sflag:s20] =	ssyncset.done $0x0  }
0x8b: {  	s25 =	simm.s32 $0x280;
	[sflag:s20] =	ssyncadd.s32 $0xFFFFC000  }
0x8c: {  	v1 =	vld [tilespmem:s25+$0x0]  }
0x8d: {  	v2 =	vld [tilespmem:s24+$0x0]  }
0x8e: {  	s31 =	simm.s32 $0x0  }
0x8f: {  	v3 =	vmov s31  }
0x90: {  	v3 =	vshll.u32 v3, $0x7  }
0x91: {  	v3 =	vor.u32 v0, v3;
	v1 =	vand.u32 $0x7F, v1  }
0x92: {  	v2 =	vand.u32 $0x7F, v2;
	v1 =	vor.u32 v3, v1  }
0x93: {  	v2 =	vor.u32 v3, v2;
	_ =	sdelay $0x3  }
0x94: {  	v3 =	vld.idx.msk [tilespmem:v1+s18+$0x0], $0xffff  }
0x95: {  	v63 =	vld.idx.msk [tilespmem:v2+s15+$0x0], $0xffff  }
0x96: {  	v1 =	vld.idx.msk [tilespmem:v1+s19+$0x0], $0xffff  }
0x97: {  	v2 =	vld.idx.msk [tilespmem:v2+s16+$0x0], $0xffff;
	_ =	sdelay $0x3  }
0x98: {  	v3 =	vadd.f32 v3, v63  }
0x99: {  	s26 =	simm.s32 $0x10580;
	v1 =	vadd.f32 v1, v2  }
0x9a: {  	s28 =	simm.s32 $0x10;
	s29 =	simm.s32 $0x290;
	s25 =	simm.s32 $0x10780;
	[tilespmem:s26+$0x0] =	vst v3  }
.LBB2_4:
0x9b: {  	[tilespmem:s25+$0x0] =	vst v1;
	s25 =	sadd.s32 $0x10, s25;
	s26 =	sadd.s32 $0x10, s26;
	s24 =	sadd.s32 $0x10, s24  }
0x9c: {  	p0 =	sne.s32 s28, $0x70;
	s30 =	smov.u32 s28;
	s28 =	sadd.s32 $0x10, s28;
	v1 =	vld [tilespmem:s29+$0x0]  }
0x9d: {  	_ = 	snop  }
0x9e: {  	v2 =	vld [tilespmem:s24+$0x0]  }
0x9f: {  	v3 =	vmov s30  }
0xa0: {  	v3 =	vshll.u32 v3, $0x7  }
0xa1: {  	v3 =	vor.u32 v0, v3;
	v1 =	vand.u32 $0x7F, v1  }
0xa2: {  	v1 =	vor.u32 v3, v1  }
0xa3: {  	v2 =	vand.u32 $0x7F, v2  }
0xa4: {  	v2 =	vor.u32 v3, v2;
	_ =	sdelay $0x2  }
0xa5: {  	v3 =	vld.idx.msk [tilespmem:v1+s19+$0x0], $0xffff  }
0xa6: {  	v1 =	vld.idx.msk [tilespmem:v1+s18+$0x0], $0xffff  }
0xa7: {  	v4 =	vld.idx.msk [tilespmem:v2+s15+$0x0], $0xffff  }
0xa8: {  	v2 =	vld.idx.msk [tilespmem:v2+s16+$0x0], $0xffff;
	_ =	sdelay $0x2  }
.Ltmp1:
0xa9: {  	(pc) =	sbr.rel @p0 .LBB2_4-.Ltmp1, $4  }
0xaa: {  	_ = 	snop  }
0xab: {  	v4 =	vadd.f32 v1, v4  }
0xac: {  	v1 =	vadd.f32 v3, v2  }
0xad: {  	s29 =	sadd.s32 $0x10, s29;
	[tilespmem:s26+$0x0] =	vst v4  }
0xae: {  	[tilespmem:s25+$0x0] =	vst v1  }
0xaf: {  	v1 =	vld [tilespmem:$0x100]  }
0xb0: {  	v2 =	vld [tilespmem:$0x300]  }
0xb1: {  	v3 =	vld [tilespmem:$0x110]  }
0xb2: {  	v4 =	vld [tilespmem:$0x310]  }
0xb3: {  	v5 =	vld [tilespmem:$0x120]  }
0xb4: {  	v6 =	vld [tilespmem:$0x320];
	v1 =	vshrl.u32 v1, $0x7  }
0xb5: {  	[tilespmem:$0x400] =	vst v1;
	v1 =	vshrl.u32 v2, $0x7;
	v2 =	vld [tilespmem:$0x130]  }
0xb6: {  	[tilespmem:$0x480] =	vst v1;
	v1 =	vshrl.u32 v3, $0x7;
	v3 =	vld [tilespmem:$0x330]  }
0xb7: {  	v57 =	vld [tilespmem:$0x140];
	[tilespmem:$0x410] =	vst v1;
	v1 =	vshrl.u32 v4, $0x7  }
0xb8: {  	v58 =	vld [tilespmem:$0x340];
	[tilespmem:$0x490] =	vst v1;
	v1 =	vshrl.u32 v5, $0x7  }
0xb9: {  	v59 =	vld [tilespmem:$0x150];
	[tilespmem:$0x420] =	vst v1;
	v1 =	vshrl.u32 v6, $0x7  }
0xba: {  	[tilespmem:$0x4A0] =	vst v1;
	v1 =	vshrl.u32 v2, $0x7;
	v2 =	vld [tilespmem:$0x350]  }
0xbb: {  	[tilespmem:$0x430] =	vst v1;
	v1 =	vshrl.u32 v3, $0x7;
	v3 =	vld [tilespmem:$0x160]  }
0xbc: {  	v60 =	vld [tilespmem:$0x360];
	[tilespmem:$0x4B0] =	vst v1;
	v1 =	vshrl.u32 v57, $0x7  }
0xbd: {  	v61 =	vld [tilespmem:$0x170];
	[tilespmem:$0x440] =	vst v1;
	v1 =	vshrl.u32 v58, $0x7  }
0xbe: {  	v62 =	vld [tilespmem:$0x370];
	[tilespmem:$0x4C0] =	vst v1;
	v1 =	vshrl.u32 v59, $0x7  }
0xbf: {  	[tilespmem:$0x450] =	vst v1;
	v1 =	vshrl.u32 v2, $0x7  }
0xc0: {  	[tilespmem:$0x4D0] =	vst v1;
	v1 =	vshrl.u32 v3, $0x7  }
0xc1: {  	[tilespmem:$0x460] =	vst v1;
	v1 =	vshrl.u32 v60, $0x7  }
0xc2: {  	[tilespmem:$0x4E0] =	vst v1;
	v1 =	vshrl.u32 v61, $0x7  }
0xc3: {  	[tilespmem:$0x470] =	vst v1;
	v1 =	vshrl.u32 v62, $0x7  }
0xc4: {  	[tilespmem:$0x4F0] =	vst v1  }
0xc5: {  	[tilespmem:s15], [sflag:$0x1] =	stream.indirect.gather [hbm4b:s3+s13], $0x80, s14, s13, $0xb8;
	[tilespmem:$0x10900] =	vst v63  }
0xc6: {  	_ = 	snop  }
0xc7: {  	[tilespmem:s16], [sflag:$0x1] =	stream.indirect.gather [hbm4b:s4+s13], $0x80, s14, s13, $0xb8;
	[tilespmem:$0x10900] =	vst v63  }
0xc8: {  	_ = 	snop  }
0xc9: {  	[tilespmem:s18], [sflag:$0x1] =	stream.indirect.gather [hbm4b:s5+s13], $0x80, s17, s13, $0xb8;
	[tilespmem:$0x10900] =	vst v63  }
0xca: {  	_ = 	snop  }
0xcb: {  	[tilespmem:s19], [sflag:$0x1] =	stream.indirect.gather [hbm4b:s6+s13], $0x80, s17, s13, $0xb8;
	[tilespmem:$0x10900] =	vst v63  }
0xcc: {  	_ =	swait.ge [sflag:s20], $0x4000  }
0xcd: {  	[sflag:s20] =	ssyncset.done $0x0  }
0xce: {  	[sflag:s20] =	ssyncadd.s32 $0xFFFFC000  }
0xcf: {  	_ =	swait.ge [sflag:s20], $0x4000  }
0xd0: {  	[sflag:s20] =	ssyncset.done $0x0  }
0xd1: {  	[sflag:s20] =	ssyncadd.s32 $0xFFFFC000  }
0xd2: {  	_ =	swait.ge [sflag:s20], $0x4000  }
0xd3: {  	[sflag:s20] =	ssyncset.done $0x0  }
0xd4: {  	[sflag:s20] =	ssyncadd.s32 $0xFFFFC000  }
0xd5: {  	_ =	swait.ge [sflag:s20], $0x4000  }
0xd6: {  	[sflag:s20] =	ssyncset.done $0x0  }
0xd7: {  	s30 =	simm.s32 $0x300;
	[sflag:s20] =	ssyncadd.s32 $0xFFFFC000  }
0xd8: {  	s24 =	simm.s32 $0x100;
	v1 =	vld [tilespmem:s30+$0x0]  }
0xd9: {  	v2 =	vld [tilespmem:s24+$0x0]  }
0xda: {  	s31 =	simm.s32 $0x0  }
0xdb: {  	v3 =	vmov s31  }
0xdc: {  	v3 =	vshll.u32 v3, $0x7  }
0xdd: {  	v3 =	vor.u32 v0, v3;
	v1 =	vand.u32 $0x7F, v1  }
0xde: {  	v2 =	vand.u32 $0x7F, v2;
	v1 =	vor.u32 v3, v1  }
0xdf: {  	v2 =	vor.u32 v3, v2;
	_ =	sdelay $0x3  }
0xe0: {  	v3 =	vld.idx.msk [tilespmem:v1+s18+$0x0], $0xffff  }
0xe1: {  	v63 =	vld.idx.msk [tilespmem:v2+s15+$0x0], $0xffff  }
0xe2: {  	v1 =	vld.idx.msk [tilespmem:v1+s19+$0x0], $0xffff  }
0xe3: {  	v2 =	vld.idx.msk [tilespmem:v2+s16+$0x0], $0xffff;
	_ =	sdelay $0x3  }
0xe4: {  	v3 =	vadd.f32 v3, v63  }
0xe5: {  	s26 =	simm.s32 $0x10600;
	v1 =	vadd.f32 v1, v2  }
0xe6: {  	s25 =	simm.s32 $0x10800;
	s28 =	simm.s32 $0x10;
	s29 =	simm.s32 $0x310;
	[tilespmem:s26+$0x0] =	vst v3  }
.LBB2_6:
0xe7: {  	[tilespmem:s25+$0x0] =	vst v1;
	s25 =	sadd.s32 $0x10, s25;
	s26 =	sadd.s32 $0x10, s26;
	s24 =	sadd.s32 $0x10, s24  }
0xe8: {  	p0 =	sne.s32 s28, $0x70;
	s30 =	smov.u32 s28;
	s28 =	sadd.s32 $0x10, s28;
	v1 =	vld [tilespmem:s29+$0x0]  }
0xe9: {  	_ = 	snop  }
0xea: {  	v2 =	vld [tilespmem:s24+$0x0]  }
0xeb: {  	v3 =	vmov s30  }
0xec: {  	v3 =	vshll.u32 v3, $0x7  }
0xed: {  	v3 =	vor.u32 v0, v3;
	v1 =	vand.u32 $0x7F, v1  }
0xee: {  	v1 =	vor.u32 v3, v1  }
0xef: {  	v2 =	vand.u32 $0x7F, v2  }
0xf0: {  	v2 =	vor.u32 v3, v2;
	_ =	sdelay $0x2  }
0xf1: {  	v3 =	vld.idx.msk [tilespmem:v1+s19+$0x0], $0xffff  }
0xf2: {  	v1 =	vld.idx.msk [tilespmem:v1+s18+$0x0], $0xffff  }
0xf3: {  	v4 =	vld.idx.msk [tilespmem:v2+s15+$0x0], $0xffff  }
0xf4: {  	v2 =	vld.idx.msk [tilespmem:v2+s16+$0x0], $0xffff;
	_ =	sdelay $0x2  }
.Ltmp2:
0xf5: {  	(pc) =	sbr.rel @p0 .LBB2_6-.Ltmp2, $4  }
0xf6: {  	_ = 	snop  }
0xf7: {  	v4 =	vadd.f32 v1, v4  }
0xf8: {  	v1 =	vadd.f32 v3, v2  }
0xf9: {  	s29 =	sadd.s32 $0x10, s29;
	[tilespmem:s26+$0x0] =	vst v4  }
0xfa: {  	[tilespmem:s25+$0x0] =	vst v1  }
0xfb: {  	v1 =	vld [tilespmem:$0x180]  }
0xfc: {  	v2 =	vld [tilespmem:$0x380]  }
0xfd: {  	v3 =	vld [tilespmem:$0x190]  }
0xfe: {  	v4 =	vld [tilespmem:$0x390]  }
0xff: {  	v5 =	vld [tilespmem:$0x1A0]  }
0x100: {  	v6 =	vld [tilespmem:$0x3A0];
	v1 =	vshrl.u32 v1, $0x7  }
0x101: {  	[tilespmem:$0x400] =	vst v1;
	v1 =	vshrl.u32 v2, $0x7;
	v2 =	vld [tilespmem:$0x1B0]  }
0x102: {  	[tilespmem:$0x480] =	vst v1;
	v1 =	vshrl.u32 v3, $0x7;
	v3 =	vld [tilespmem:$0x3B0]  }
0x103: {  	v57 =	vld [tilespmem:$0x1C0];
	[tilespmem:$0x410] =	vst v1;
	v1 =	vshrl.u32 v4, $0x7  }
0x104: {  	v58 =	vld [tilespmem:$0x3C0];
	[tilespmem:$0x490] =	vst v1;
	v1 =	vshrl.u32 v5, $0x7  }
0x105: {  	v59 =	vld [tilespmem:$0x1D0];
	[tilespmem:$0x420] =	vst v1;
	v1 =	vshrl.u32 v6, $0x7  }
0x106: {  	[tilespmem:$0x4A0] =	vst v1;
	v1 =	vshrl.u32 v2, $0x7;
	v2 =	vld [tilespmem:$0x3D0]  }
0x107: {  	[tilespmem:$0x430] =	vst v1;
	v1 =	vshrl.u32 v3, $0x7;
	v3 =	vld [tilespmem:$0x1E0]  }
0x108: {  	v60 =	vld [tilespmem:$0x3E0];
	[tilespmem:$0x4B0] =	vst v1;
	v1 =	vshrl.u32 v57, $0x7  }
0x109: {  	v61 =	vld [tilespmem:$0x1F0];
	[tilespmem:$0x440] =	vst v1;
	v1 =	vshrl.u32 v58, $0x7  }
0x10a: {  	v62 =	vld [tilespmem:$0x3F0];
	[tilespmem:$0x4C0] =	vst v1;
	v1 =	vshrl.u32 v59, $0x7  }
0x10b: {  	[tilespmem:$0x450] =	vst v1;
	v1 =	vshrl.u32 v2, $0x7  }
0x10c: {  	[tilespmem:$0x4D0] =	vst v1;
	v1 =	vshrl.u32 v3, $0x7  }
0x10d: {  	[tilespmem:$0x460] =	vst v1;
	v1 =	vshrl.u32 v60, $0x7  }
0x10e: {  	[tilespmem:$0x4E0] =	vst v1;
	v1 =	vshrl.u32 v61, $0x7  }
0x10f: {  	[tilespmem:$0x470] =	vst v1;
	v1 =	vshrl.u32 v62, $0x7  }
0x110: {  	[tilespmem:$0x4F0] =	vst v1  }
0x111: {  	[tilespmem:s15], [sflag:$0x1] =	stream.indirect.gather [hbm4b:s3+s13], $0x80, s14, s13, $0xb8;
	[tilespmem:$0x10900] =	vst v63  }
0x112: {  	_ = 	snop  }
0x113: {  	[tilespmem:s16], [sflag:$0x1] =	stream.indirect.gather [hbm4b:s4+s13], $0x80, s14, s13, $0xb8;
	[tilespmem:$0x10900] =	vst v63  }
0x114: {  	_ = 	snop  }
0x115: {  	[tilespmem:s18], [sflag:$0x1] =	stream.indirect.gather [hbm4b:s5+s13], $0x80, s17, s13, $0xb8;
	[tilespmem:$0x10900] =	vst v63  }
0x116: {  	_ = 	snop  }
0x117: {  	[tilespmem:s19], [sflag:$0x1] =	stream.indirect.gather [hbm4b:s6+s13], $0x80, s17, s13, $0xb8;
	[tilespmem:$0x10900] =	vst v63  }
0x118: {  	_ =	swait.ge [sflag:s20], $0x4000  }
0x119: {  	[sflag:s20] =	ssyncset.done $0x0  }
0x11a: {  	[sflag:s20] =	ssyncadd.s32 $0xFFFFC000  }
0x11b: {  	_ =	swait.ge [sflag:s20], $0x4000  }
0x11c: {  	[sflag:s20] =	ssyncset.done $0x0  }
0x11d: {  	[sflag:s20] =	ssyncadd.s32 $0xFFFFC000  }
0x11e: {  	_ =	swait.ge [sflag:s20], $0x4000  }
0x11f: {  	[sflag:s20] =	ssyncset.done $0x0  }
0x120: {  	[sflag:s20] =	ssyncadd.s32 $0xFFFFC000  }
0x121: {  	_ =	swait.ge [sflag:s20], $0x4000  }
0x122: {  	[sflag:s20] =	ssyncset.done $0x0  }
0x123: {  	s30 =	simm.s32 $0x380;
	[sflag:s20] =	ssyncadd.s32 $0xFFFFC000  }
0x124: {  	s24 =	simm.s32 $0x180;
	v1 =	vld [tilespmem:s30+$0x0]  }
0x125: {  	v2 =	vld [tilespmem:s24+$0x0]  }
0x126: {  	s31 =	simm.s32 $0x0  }
0x127: {  	v3 =	vmov s31  }
0x128: {  	v3 =	vshll.u32 v3, $0x7  }
0x129: {  	v3 =	vor.u32 v0, v3;
	v1 =	vand.u32 $0x7F, v1  }
0x12a: {  	v2 =	vand.u32 $0x7F, v2;
	v1 =	vor.u32 v3, v1  }
0x12b: {  	v2 =	vor.u32 v3, v2;
	_ =	sdelay $0x3  }
0x12c: {  	v3 =	vld.idx.msk [tilespmem:v1+s18+$0x0], $0xffff  }
0x12d: {  	v63 =	vld.idx.msk [tilespmem:v2+s15+$0x0], $0xffff  }
0x12e: {  	v1 =	vld.idx.msk [tilespmem:v1+s19+$0x0], $0xffff  }
0x12f: {  	v2 =	vld.idx.msk [tilespmem:v2+s16+$0x0], $0xffff;
	_ =	sdelay $0x3  }
0x130: {  	v3 =	vadd.f32 v3, v63  }
0x131: {  	s26 =	simm.s32 $0x10680;
	v1 =	vadd.f32 v1, v2  }
0x132: {  	s25 =	simm.s32 $0x10880;
	s28 =	simm.s32 $0x10;
	s29 =	simm.s32 $0x390;
	[tilespmem:s26+$0x0] =	vst v3  }
.LBB2_8:
0x133: {  	[tilespmem:s25+$0x0] =	vst v1;
	s25 =	sadd.s32 $0x10, s25;
	s26 =	sadd.s32 $0x10, s26;
	s24 =	sadd.s32 $0x10, s24  }
0x134: {  	p0 =	sne.s32 s28, $0x70;
	s30 =	smov.u32 s28;
	s28 =	sadd.s32 $0x10, s28;
	v1 =	vld [tilespmem:s29+$0x0]  }
0x135: {  	_ = 	snop  }
0x136: {  	v2 =	vld [tilespmem:s24+$0x0]  }
0x137: {  	v3 =	vmov s30  }
0x138: {  	v3 =	vshll.u32 v3, $0x7  }
0x139: {  	v3 =	vor.u32 v0, v3;
	v1 =	vand.u32 $0x7F, v1  }
0x13a: {  	v1 =	vor.u32 v3, v1  }
0x13b: {  	v2 =	vand.u32 $0x7F, v2  }
0x13c: {  	v2 =	vor.u32 v3, v2;
	_ =	sdelay $0x2  }
0x13d: {  	v3 =	vld.idx.msk [tilespmem:v1+s19+$0x0], $0xffff  }
0x13e: {  	v1 =	vld.idx.msk [tilespmem:v1+s18+$0x0], $0xffff  }
0x13f: {  	v4 =	vld.idx.msk [tilespmem:v2+s15+$0x0], $0xffff  }
0x140: {  	v2 =	vld.idx.msk [tilespmem:v2+s16+$0x0], $0xffff;
	_ =	sdelay $0x2  }
.Ltmp3:
0x141: {  	(pc) =	sbr.rel @p0 .LBB2_8-.Ltmp3, $4  }
0x142: {  	_ = 	snop  }
0x143: {  	v4 =	vadd.f32 v1, v4  }
0x144: {  	v1 =	vadd.f32 v3, v2  }
0x145: {  	s29 =	sadd.s32 $0x10, s29;
	[tilespmem:s26+$0x0] =	vst v4  }
0x146: {  	[tilespmem:s25+$0x0] =	vst v1  }
0x147: {  	[hbm4b:s9+s2] =	stream.linear.scatter [tilespmem:s21], [sflag:$0x2], $0x200, $0x38;
	[tilespmem:$0x10900] =	vst v63  }
0x148: {  	s23 =	sadd.s32 $0x1, s23;
	_ =	swait.ge [sflag:s12], $0x200  }
0x149: {  	p0 =	sne.s32 s23, s11;
	[sflag:s12] =	ssyncset.done $0x0  }
.Ltmp4:
0x14a: {  	[sflag:s12] =	ssyncadd.s32 $0xFFFFFE00;
	(pc) =	sbr.rel @p0 .LBB2_1-.Ltmp4, $4  }
0x14b: {  	[hbm4b:s10+s2] =	stream.linear.scatter [tilespmem:s22], [sflag:$0x2], $0x200, $0x38;
	[tilespmem:$0x10900] =	vst v63  }
0x14c: {  	_ =	swait.ge [sflag:s12], $0x200  }
0x14d: {  	[sflag:s12] =	ssyncset.done $0x0  }
0x14e: {  	[sflag:s12] =	ssyncadd.s32 $0xFFFFFE00  }
0x14f: {  	_ =	sfence.sel $0x180000  }
0x150: {  	[bflag:$0x0] =	sbarrier.arrive $0xFFFF  }
0x151: {  	p0 =	sne.s32 s1, $0x0;
	_ =	strace $0x90000047  }
0x152: {  	s0 =	sadd.s32 @!p0 $0x100000, s0;
	[bflag:$0x2] =	sbarrier.arrive $0xFFFF  }
0x153: {  	[sflag:s0] =	ssyncadd.tile.s32 @!p0 $0x1;
	_ =	shalt  }
.Lfunc_end2:
_tile_overlayer_lowered:
.L_overlay_start_2:
0x154: {  	(tag) =	ssettag $0x2  }
0x155: {  	s0 =	rddreg [dreg:$0x0];
	s2 =	stileid.u32  }
0x156: {  	s1 =	rddreg [dreg:$0x1];
	p0 =	sne.s32 s2, $0x0  }
0x157: {  	s3 =	rddreg [dreg:$0x2];
	[bflag:$0x3] =	sbarrier.arrive $0xFFFF;
	s2 =	simm.s32 @!p0 $0x1C02  }
0x158: {  	[timem:s3], [sflag:s2] =	dma.local @!p0 [hbm:s0], s1  }
0x159: {  	s0 =	simm.s32 @!p0 $0x2  }
0x15a: {  	_ =	swait.ge @!p0 [sflag:s0], s1  }
0x15b: {  	s1 =	ssub.s32 @!p0 $0x0, s1;
	[sflag:s0] =	ssyncset.done @!p0 $0x0  }
0x15c: {  	[sflag:s0] =	ssyncadd.s32 @!p0 s1  }
0x15d: {  	[bflag:$0x3] =	sbarrier.arrive $0xFFFF  }
0x15e: {  	_ =	shalt  }

</sc_bundles>
